<compile_context>
chip_gen: v7x
topology: tpu7x:2x2x1
jax: 0.10.2.dev20260603
libtpu: 0.0.44.dev20260713+nightly
codegen_flags: <defaults>
</compile_context>

<pallas_src>
import functools

import jax
import jax.numpy as jnp
from jax import lax
from jax.experimental import pallas as pl
from jax.experimental.pallas import tpu as pltpu
from jax.experimental.pallas import tpu_sc as plsc

N = 10000
D = 128
E = 320000
CHUNK = 80
ROWS_PER_TILE = 125
EROWS = E // CHUNK
NZ = N // 16
DEG_W = 16

_mesh = plsc.VectorSubcoreMesh(core_axis_name="c", subcore_axis_name="s")
_sc_params = pltpu.CompilerParams(use_tc_tiling_on_sc=False)



@functools.partial(
    pl.kernel,
    out_type=jax.ShapeDtypeStruct((2, N, D), jnp.float32),
    mesh=_mesh,
    scratch_types=[
        pltpu.VMEM((ROWS_PER_TILE, CHUNK), jnp.int32),
        pltpu.VMEM((ROWS_PER_TILE, CHUNK), jnp.int32),
        pltpu.VMEM((CHUNK, D), jnp.float32),
        pltpu.VMEM_SHARED((N, D), jnp.float32),
    ],
    compiler_params=_sc_params,
)
def _sc_agg(h_hbm, dst_hbm, src_hbm, zeros_hbm, out_hbm,
            dst_v, src_v, rows_v, acc_sh):
    cid = lax.axis_index("c")
    sid = lax.axis_index("s")
    wid = sid * 2 + cid
    zbase = sid * NZ
    pltpu.sync_copy(zeros_hbm, acc_sh.at[pl.ds(zbase, NZ)])
    ebase = wid * ROWS_PER_TILE
    pltpu.sync_copy(dst_hbm.at[pl.ds(ebase, ROWS_PER_TILE)], dst_v)
    pltpu.sync_copy(src_hbm.at[pl.ds(ebase, ROWS_PER_TILE)], src_v)
    plsc.subcore_barrier()

    @pl.loop(0, ROWS_PER_TILE)
    def _(j):
        pltpu.sync_copy(h_hbm.at[dst_v.at[j]], rows_v)
        pltpu.sync_copy(rows_v, acc_sh.at[src_v.at[j]], add=True)

    plsc.subcore_barrier()
    pltpu.sync_copy(acc_sh.at[pl.ds(zbase, NZ)],
                    out_hbm.at[cid, pl.ds(zbase, NZ)])


@functools.partial(
    pl.kernel,
    out_type=jax.ShapeDtypeStruct((2, N, DEG_W), jnp.float32),
    mesh=_mesh,
    scratch_types=[
        pltpu.VMEM((ROWS_PER_TILE, CHUNK), jnp.int32),
        pltpu.VMEM((CHUNK, DEG_W), jnp.float32),
        pltpu.VMEM_SHARED((N, DEG_W), jnp.float32),
    ],
    compiler_params=_sc_params,
)
def _sc_deg(src_hbm, ones_hbm, zeros_hbm, out_hbm, src_v, ones_v, acc_sh):
    cid = lax.axis_index("c")
    sid = lax.axis_index("s")
    wid = sid * 2 + cid
    zbase = sid * NZ
    pltpu.sync_copy(zeros_hbm, acc_sh.at[pl.ds(zbase, NZ)])
    pltpu.sync_copy(ones_hbm, ones_v)
    ebase = wid * ROWS_PER_TILE
    pltpu.sync_copy(src_hbm.at[pl.ds(ebase, ROWS_PER_TILE)], src_v)
    plsc.subcore_barrier()

    @pl.loop(0, ROWS_PER_TILE)
    def _(j):
        pltpu.sync_copy(ones_v, acc_sh.at[src_v.at[j]], add=True)

    plsc.subcore_barrier()
    pltpu.sync_copy(acc_sh.at[pl.ds(zbase, NZ)],
                    out_hbm.at[cid, pl.ds(zbase, NZ)])



BR = 1000
GRID = (N // BR,)

def _leaky(x):
    return jnp.where(x >= 0, x, 0.01 * x)


def _mm(x, w, b):
    return jnp.dot(x, w, preferred_element_type=jnp.float32) + b


def _pre_body(x_ref, we, be, wg, bg, o_ref):
    x0 = _mm(x_ref[...], we[...], be[...])
    o_ref[...] = _mm(x0, wg[...], bg[...])


def _combine(h_ref, agg_ref, deg_ref):
    aggs = agg_ref[0] + agg_ref[1]
    deg = deg_ref[0, :, 0:1] + deg_ref[1, :, 0:1]
    return (h_ref[...] + aggs) * (1.0 / (deg + 1.0))


def _mid_body(h_ref, agg_ref, deg_ref, wg, bg, o_ref):
    o_ref[...] = _mm(_combine(h_ref, agg_ref, deg_ref), wg[...], bg[...])


def _post_body(h_ref, agg_ref, deg_ref, wr1, br1, wr2, br2,
               ws1, bs1, ws2, bs2, wf, bf, o_ref):
    x = _combine(h_ref, agg_ref, deg_ref)
    r = _leaky(_mm(_leaky(_mm(x, wr1[...], br1[...])), wr2[...], br2[...]))
    s = jax.nn.sigmoid(_mm(_leaky(_mm(x, ws1[...], bs1[...])), ws2[...], bs2[...]))
    o_ref[...] = _mm(r * s, wf[...], bf[...])


def _w_spec():
    return pl.BlockSpec((D, D), lambda i: (0, 0))


def _b_spec():
    return pl.BlockSpec((D,), lambda i: (0,))


_X_SPEC = pl.BlockSpec((BR, D), lambda i: (i, 0))
_AGG_SPEC = pl.BlockSpec((2, BR, D), lambda i: (0, i, 0))
_DEG_SPEC = pl.BlockSpec((2, BR, DEG_W), lambda i: (0, i, 0))


def _tc_pre(node_attr, W_enc, b_enc, W_g0, b_g0):
    return pl.pallas_call(
        _pre_body,
        grid=GRID,
        in_specs=[_X_SPEC, _w_spec(), _b_spec(), _w_spec(), _b_spec()],
        out_specs=_X_SPEC,
        out_shape=jax.ShapeDtypeStruct((N, D), jnp.float32),
    )(node_attr, W_enc, b_enc, W_g0, b_g0)


def _tc_mid(h, agg, deg, Wg, bg):
    return pl.pallas_call(
        _mid_body,
        grid=GRID,
        in_specs=[_X_SPEC, _AGG_SPEC, _DEG_SPEC, _w_spec(), _b_spec()],
        out_specs=_X_SPEC,
        out_shape=jax.ShapeDtypeStruct((N, D), jnp.float32),
    )(h, agg, deg, Wg, bg)


def _tc_post(h, agg, deg, W_r1, b_r1, W_r2, b_r2, W_s1, b_s1, W_s2, b_s2,
             W_f_pad, b_f_pad):
    return pl.pallas_call(
        _post_body,
        grid=GRID,
        in_specs=[_X_SPEC, _AGG_SPEC, _DEG_SPEC,
                  _w_spec(), _b_spec(), _w_spec(), _b_spec(),
                  _w_spec(), _b_spec(), _w_spec(), _b_spec(),
                  _w_spec(), _b_spec()],
        out_specs=_X_SPEC,
        out_shape=jax.ShapeDtypeStruct((N, D), jnp.float32),
    )(h, agg, deg, W_r1, b_r1, W_r2, b_r2, W_s1, b_s1, W_s2, b_s2,
      W_f_pad, b_f_pad)



def kernel(node_attr, edge_index, num_atoms,
           W_enc, b_enc, W_g0, b_g0, W_g1, b_g1, W_g2, b_g2,
           W_r1, b_r1, W_r2, b_r2, W_s1, b_s1, W_s2, b_s2, W_f, b_f):
    del num_atoms
    src2d = edge_index[0].reshape(EROWS, CHUNK)
    dst2d = edge_index[1].reshape(EROWS, CHUNK)
    zrows = jnp.zeros((NZ, D), jnp.float32)
    zrows_deg = jnp.zeros((NZ, DEG_W), jnp.float32)
    ones_deg = jnp.ones((CHUNK, DEG_W), jnp.float32)
    nclass = W_f.shape[1]
    W_f_pad = jnp.zeros((D, D), jnp.float32).at[:, :nclass].set(W_f)
    b_f_pad = jnp.zeros((D,), jnp.float32).at[:nclass].set(b_f)

    deg = _sc_deg(src2d, ones_deg, zrows_deg)
    h = _tc_pre(node_attr, W_enc, b_enc, W_g0, b_g0)
    agg = _sc_agg(h, dst2d, src2d, zrows)
    h = _tc_mid(h, agg, deg, W_g1, b_g1)
    agg = _sc_agg(h, dst2d, src2d, zrows)
    h = _tc_mid(h, agg, deg, W_g2, b_g2)
    agg = _sc_agg(h, dst2d, src2d, zrows)
    out = _tc_post(h, agg, deg, W_r1, b_r1, W_r2, b_r2,
                   W_s1, b_s1, W_s2, b_s2, W_f_pad, b_f_pad)
    return out[:, :nclass]

# --- scband reference (transcript-rebuilt; emitter-appended) ---
"""Pipeline reference for scband-graph-conv-net-71159018160289 (READ-ONLY COPY).

The authoritative reference and input builder live on the scoring server;
editing this copy changes nothing except your own understanding.
"""

import jax, jax.numpy as jnp
import numpy as np

N = 10000
E = 320000
D = 128
NUM_CLASS = 10


def _leaky(x):
    return jnp.where(x >= 0, x, 0.01 * x)


def _linear(x, W, b):
    return x @ W + b


def _lin_params(k, fin, fout):
    k1, k2 = jax.random.split(k)
    W = jax.random.normal(k1, (fin, fout), dtype=jnp.float32) / jnp.sqrt(float(fin))
    b = jax.random.normal(k2, (fout,), dtype=jnp.float32) * 0.01
    return W, b


def setup_inputs(seed: int = 0) -> dict:
    key = jax.random.key(seed)
    ks = jax.random.split(key, 16)
    inp = {}
    inp['node_attr'] = jax.random.normal(ks[0], (N, D), dtype=jnp.float32)
    inp['edge_index'] = jax.random.randint(ks[1], (2, E), 0, N, dtype=jnp.int32)
    inp['num_atoms'] = jnp.ones((N,), dtype=jnp.int32)
    inp['W_enc'], inp['b_enc'] = _lin_params(ks[2], D, D)
    inp['W_g0'], inp['b_g0'] = _lin_params(ks[3], D, D)
    inp['W_g1'], inp['b_g1'] = _lin_params(ks[4], D, D)
    inp['W_g2'], inp['b_g2'] = _lin_params(ks[5], D, D)
    inp['W_r1'], inp['b_r1'] = _lin_params(ks[6], D, D)
    inp['W_r2'], inp['b_r2'] = _lin_params(ks[7], D, D)
    inp['W_s1'], inp['b_s1'] = _lin_params(ks[8], D, D)
    inp['W_s2'], inp['b_s2'] = _lin_params(ks[9], D, D)
    inp['W_f'], inp['b_f'] = _lin_params(ks[10], D, NUM_CLASS)
    return inp


def reference(node_attr, edge_index, num_atoms, W_enc, b_enc, W_g0, b_g0, W_g1, b_g1, W_g2, b_g2, W_r1, b_r1, W_r2, b_r2, W_s1, b_s1, W_s2, b_s2, W_f, b_f):
    src = edge_index[0]
    dst = edge_index[1]
    x = _linear(node_attr, W_enc, b_enc)
    for (Wg, bg) in ((W_g0, b_g0), (W_g1, b_g1), (W_g2, b_g2)):
        h = _linear(x, Wg, bg)
        agg = jax.ops.segment_sum(h[dst], src, num_segments=N)
        deg = jax.ops.segment_sum(jnp.ones((E,), dtype=jnp.float32), src, num_segments=N)
        x = (h + agg) / (deg + 1.0)[:, None]
    relu_x = _leaky(_linear(_leaky(_linear(x, W_r1, b_r1)), W_r2, b_r2))
    sig_x = jax.nn.sigmoid(_linear(_leaky(_linear(x, W_s1, b_s1)), W_s2, b_s2))
    x = relu_x * sig_x
    G = num_atoms.shape[0]
    graph_mask = jnp.repeat(jnp.arange(G), num_atoms, total_repeat_length=N)
    seg_sum = jax.ops.segment_sum(x, graph_mask, num_segments=G)
    counts = jax.ops.segment_sum(jnp.ones((N,), dtype=jnp.float32), graph_mask, num_segments=G)
    graph_attr = seg_sum / jnp.maximum(counts, 1.0)[:, None]
    out = _linear(graph_attr, W_f, b_f)
    return out

if __name__ == "__main__":
    import jax
    _d = setup_inputs()
    print(jax.jit(kernel)(*tuple(_d.values())))

</pallas_src>

<mosaic_0001>
#map = affine_map<(d0, d1) -> (0, 0)>
#map1 = affine_map<(d0, d1) -> (0, 0, 0)>
module attributes {stable_mosaic.version = 14 : i64} {
  func.func @_sc_agg(%arg0: i32, %arg1: i32, %arg2: memref<10000x128xf32, #tpu.memory_space<hbm>>, %arg3: memref<4000x80xi32, #tpu.memory_space<hbm>>, %arg4: memref<4000x80xi32, #tpu.memory_space<hbm>>, %arg5: memref<625x128xf32, #tpu.memory_space<hbm>>, %arg6: memref<2x10000x128xf32, #tpu.memory_space<hbm>>, %arg7: memref<125x80xi32, #tpu.memory_space<vmem>>, %arg8: memref<125x80xi32, #tpu.memory_space<vmem>>, %arg9: memref<80x128xf32, #tpu.memory_space<vmem>>, %arg10: memref<10000x128xf32, #tpu.memory_space<vmem_shared>>) attributes {dimension_semantics = [#tpu.dimension_semantics<core_parallel>, #tpu.dimension_semantics<subcore_parallel>], iteration_bounds = array<i64: 2, 16>, scalar_prefetch = 0 : i64, scratch_operands = 4 : i64, tpu.core_type = #tpu.core_type<sc_vector_subcore>, window_params = [{transform_indices = #map}, {transform_indices = #map}, {transform_indices = #map}, {transform_indices = #map}, {transform_indices = #map1}]} {
    %mul3A = arith.constant 2 : i32
    %mul3A_0 = arith.muli %arg1, %mul3A : i32
    %add3A = arith.addi %mul3A_0, %arg0 : i32
    %mul3A_1 = arith.constant 625 : i32
    %mul3A_2 = arith.muli %arg1, %mul3A_1 : i32
    "tpu.region"() ({
      %run_scoped3A = tpu.sem_alloc : memref<!tpu.dma_semaphore, #tpu.memory_space<semaphore_mem>>
      %dma_start3A = arith.constant 0 : i32
      %dma_start3A_10 = tpu.memref_slice %arg10[%mul3A_2, %dma_start3A] : memref<10000x128xf32, #tpu.memory_space<vmem_shared>> -> memref<625x128xf32, #tpu.memory_space<vmem_shared>>
      tpu.enqueue_dma source(%arg5 : memref<625x128xf32, #tpu.memory_space<hbm>>) target(%dma_start3A_10 : memref<625x128xf32, #tpu.memory_space<vmem_shared>>) target_semaphore(%run_scoped3A : memref<!tpu.dma_semaphore, #tpu.memory_space<semaphore_mem>>)
      %dma_wait3A = arith.constant 0 : i32
      %dma_wait3A_11 = tpu.memref_slice %arg10[%mul3A_2, %dma_wait3A] : memref<10000x128xf32, #tpu.memory_space<vmem_shared>> -> memref<625x128xf32, #tpu.memory_space<vmem_shared>>
      tpu.wait_dma2 semaphore(%run_scoped3A : memref<!tpu.dma_semaphore, #tpu.memory_space<semaphore_mem>>) src(%arg5 : memref<625x128xf32, #tpu.memory_space<hbm>>) dst(%dma_wait3A_11 : memref<625x128xf32, #tpu.memory_space<vmem_shared>>)
      tpu.yield
    }) : () -> ()
    %mul3A_3 = arith.constant 125 : i32
    %mul3A_4 = arith.muli %add3A, %mul3A_3 : i32
    "tpu.region"() ({
      %run_scoped3A = tpu.sem_alloc : memref<!tpu.dma_semaphore, #tpu.memory_space<semaphore_mem>>
      %dma_start3A = arith.constant 0 : i32
      %dma_start3A_10 = tpu.memref_slice %arg3[%mul3A_4, %dma_start3A] : memref<4000x80xi32, #tpu.memory_space<hbm>> -> memref<125x80xi32, #tpu.memory_space<hbm>>
      %dma_start3A_11 = arith.constant 0 : i32
      %dma_start3A_12 = tpu.memref_slice %arg3[%mul3A_4, %dma_start3A_11] : memref<4000x80xi32, #tpu.memory_space<hbm>> -> memref<125x80xi32, #tpu.memory_space<hbm>>
      tpu.enqueue_dma source(%dma_start3A_12 : memref<125x80xi32, #tpu.memory_space<hbm>>) target(%arg7 : memref<125x80xi32, #tpu.memory_space<vmem>>) target_semaphore(%run_scoped3A : memref<!tpu.dma_semaphore, #tpu.memory_space<semaphore_mem>>)
      %dma_wait3A = arith.constant 0 : i32
      %dma_wait3A_13 = tpu.memref_slice %arg3[%mul3A_4, %dma_wait3A] : memref<4000x80xi32, #tpu.memory_space<hbm>> -> memref<125x80xi32, #tpu.memory_space<hbm>>
      %dma_wait3A_14 = arith.constant 0 : i32
      %dma_wait3A_15 = tpu.memref_slice %arg3[%mul3A_4, %dma_wait3A_14] : memref<4000x80xi32, #tpu.memory_space<hbm>> -> memref<125x80xi32, #tpu.memory_space<hbm>>
      tpu.wait_dma2 semaphore(%run_scoped3A : memref<!tpu.dma_semaphore, #tpu.memory_space<semaphore_mem>>) src(%dma_wait3A_15 : memref<125x80xi32, #tpu.memory_space<hbm>>) dst(%arg7 : memref<125x80xi32, #tpu.memory_space<vmem>>)
      tpu.yield
    }) : () -> ()
    "tpu.region"() ({
      %run_scoped3A = tpu.sem_alloc : memref<!tpu.dma_semaphore, #tpu.memory_space<semaphore_mem>>
      %dma_start3A = arith.constant 0 : i32
      %dma_start3A_10 = tpu.memref_slice %arg4[%mul3A_4, %dma_start3A] : memref<4000x80xi32, #tpu.memory_space<hbm>> -> memref<125x80xi32, #tpu.memory_space<hbm>>
      %dma_start3A_11 = arith.constant 0 : i32
      %dma_start3A_12 = tpu.memref_slice %arg4[%mul3A_4, %dma_start3A_11] : memref<4000x80xi32, #tpu.memory_space<hbm>> -> memref<125x80xi32, #tpu.memory_space<hbm>>
      tpu.enqueue_dma source(%dma_start3A_12 : memref<125x80xi32, #tpu.memory_space<hbm>>) target(%arg8 : memref<125x80xi32, #tpu.memory_space<vmem>>) target_semaphore(%run_scoped3A : memref<!tpu.dma_semaphore, #tpu.memory_space<semaphore_mem>>)
      %dma_wait3A = arith.constant 0 : i32
      %dma_wait3A_13 = tpu.memref_slice %arg4[%mul3A_4, %dma_wait3A] : memref<4000x80xi32, #tpu.memory_space<hbm>> -> memref<125x80xi32, #tpu.memory_space<hbm>>
      %dma_wait3A_14 = arith.constant 0 : i32
      %dma_wait3A_15 = tpu.memref_slice %arg4[%mul3A_4, %dma_wait3A_14] : memref<4000x80xi32, #tpu.memory_space<hbm>> -> memref<125x80xi32, #tpu.memory_space<hbm>>
      tpu.wait_dma2 semaphore(%run_scoped3A : memref<!tpu.dma_semaphore, #tpu.memory_space<semaphore_mem>>) src(%dma_wait3A_15 : memref<125x80xi32, #tpu.memory_space<hbm>>) dst(%arg8 : memref<125x80xi32, #tpu.memory_space<vmem>>)
      tpu.yield
    }) : () -> ()
    %barrier3A = arith.constant 0 : index
    tpu.barrier barrier_id(%barrier3A)
    %scan3A = arith.constant 0 : i32
    %scan3A_5 = arith.constant 125 : i32
    %scan3A_6 = arith.addi %scan3A, %scan3A_5 : i32
    %scan3A_7 = arith.constant 1 : i32
    scf.for %scan3A_10 = %scan3A to %scan3A_6 step %scan3A_7  : i32 {
      %mul3A_11 = arith.constant 1 : i32
      %mul3A_12 = arith.muli %scan3A_10, %mul3A_11 : i32
      %add3A_13 = arith.constant 0 : i32
      %add3A_14 = arith.addi %add3A_13, %mul3A_12 : i32
      "tpu.region"() ({
        %run_scoped3A = tpu.sem_alloc : memref<!tpu.dma_semaphore, #tpu.memory_space<semaphore_mem>>
        %dma_start3A = arith.constant 0 : i32
        %dma_start3A_15 = tpu.memref_slice %arg7[%add3A_14, %dma_start3A] : memref<125x80xi32, #tpu.memory_space<vmem>> -> memref<1x80xi32, #tpu.memory_space<vmem>>
        %dma_start3A_16 = tpu.memref_squeeze %dma_start3A_15 : memref<1x80xi32, #tpu.memory_space<vmem>> -> memref<80xi32, #tpu.memory_space<vmem>>
        %dma_start3A_17 = arith.constant 0 : i32
        %dma_start3A_18 = arith.constant 0 : i32
        %dma_start3A_19 = tpu.memref_slice %arg2[%dma_start3A_17, %dma_start3A_18] : memref<10000x128xf32, #tpu.memory_space<hbm>> -> memref<10000x128xf32, #tpu.memory_space<hbm>>
        tpu.enqueue_indirect_dma source(%dma_start3A_19 : memref<10000x128xf32, #tpu.memory_space<hbm>>) target(%arg9 : memref<80x128xf32, #tpu.memory_space<vmem>>) offsets(%dma_start3A_16 : memref<80xi32, #tpu.memory_space<vmem>>) semaphore(%run_scoped3A : memref<!tpu.dma_semaphore, #tpu.memory_space<semaphore_mem>>)
        %dma_wait3A = arith.constant 0 : i32
        %dma_wait3A_20 = tpu.memref_slice %arg7[%add3A_14, %dma_wait3A] : memref<125x80xi32, #tpu.memory_space<vmem>> -> memref<1x80xi32, #tpu.memory_space<vmem>>
        %dma_wait3A_21 = tpu.memref_squeeze %dma_wait3A_20 : memref<1x80xi32, #tpu.memory_space<vmem>> -> memref<80xi32, #tpu.memory_space<vmem>>
        %dma_wait3A_22 = arith.constant 0 : i32
        %dma_wait3A_23 = arith.constant 0 : i32
        %dma_wait3A_24 = tpu.memref_slice %arg2[%dma_wait3A_22, %dma_wait3A_23] : memref<10000x128xf32, #tpu.memory_space<hbm>> -> memref<10000x128xf32, #tpu.memory_space<hbm>>
        tpu.wait_indirect_dma semaphore(%run_scoped3A : memref<!tpu.dma_semaphore, #tpu.memory_space<semaphore_mem>>) src(%dma_wait3A_24 : memref<10000x128xf32, #tpu.memory_space<hbm>>) dst(%arg9 : memref<80x128xf32, #tpu.memory_space<vmem>>)
        tpu.yield
      }) : () -> ()
      "tpu.region"() ({
        %run_scoped3A = tpu.sem_alloc : memref<!tpu.dma_semaphore, #tpu.memory_space<semaphore_mem>>
        %dma_start3A = arith.constant 0 : i32
        %dma_start3A_15 = tpu.memref_slice %arg8[%add3A_14, %dma_start3A] : memref<125x80xi32, #tpu.memory_space<vmem>> -> memref<1x80xi32, #tpu.memory_space<vmem>>
        %dma_start3A_16 = tpu.memref_squeeze %dma_start3A_15 : memref<1x80xi32, #tpu.memory_space<vmem>> -> memref<80xi32, #tpu.memory_space<vmem>>
        %dma_start3A_17 = arith.constant 0 : i32
        %dma_start3A_18 = arith.constant 0 : i32
        %dma_start3A_19 = tpu.memref_slice %arg10[%dma_start3A_17, %dma_start3A_18] : memref<10000x128xf32, #tpu.memory_space<vmem_shared>> -> memref<10000x128xf32, #tpu.memory_space<vmem_shared>>
        tpu.enqueue_indirect_dma source(%arg9 : memref<80x128xf32, #tpu.memory_space<vmem>>) target(%dma_start3A_19 : memref<10000x128xf32, #tpu.memory_space<vmem_shared>>) offsets(%dma_start3A_16 : memref<80xi32, #tpu.memory_space<vmem>>) semaphore(%run_scoped3A : memref<!tpu.dma_semaphore, #tpu.memory_space<semaphore_mem>>) {add = true}
        %dma_wait3A = arith.constant 0 : i32
        %dma_wait3A_20 = tpu.memref_slice %arg8[%add3A_14, %dma_wait3A] : memref<125x80xi32, #tpu.memory_space<vmem>> -> memref<1x80xi32, #tpu.memory_space<vmem>>
        %dma_wait3A_21 = tpu.memref_squeeze %dma_wait3A_20 : memref<1x80xi32, #tpu.memory_space<vmem>> -> memref<80xi32, #tpu.memory_space<vmem>>
        %dma_wait3A_22 = arith.constant 0 : i32
        %dma_wait3A_23 = arith.constant 0 : i32
        %dma_wait3A_24 = tpu.memref_slice %arg10[%dma_wait3A_22, %dma_wait3A_23] : memref<10000x128xf32, #tpu.memory_space<vmem_shared>> -> memref<10000x128xf32, #tpu.memory_space<vmem_shared>>
        tpu.wait_indirect_dma semaphore(%run_scoped3A : memref<!tpu.dma_semaphore, #tpu.memory_space<semaphore_mem>>) src(%arg9 : memref<80x128xf32, #tpu.memory_space<vmem>>) dst(%dma_wait3A_24 : memref<10000x128xf32, #tpu.memory_space<vmem_shared>>)
        tpu.yield
      }) : () -> ()
    }
    %scan3A_8 = arith.constant 125 : i32
    %barrier3A_9 = arith.constant 0 : index
    tpu.barrier barrier_id(%barrier3A_9)
    "tpu.region"() ({
      %run_scoped3A = tpu.sem_alloc : memref<!tpu.dma_semaphore, #tpu.memory_space<semaphore_mem>>
      %dma_start3A = arith.constant 0 : i32
      %dma_start3A_10 = tpu.memref_slice %arg6[%arg0, %mul3A_2, %dma_start3A] : memref<2x10000x128xf32, #tpu.memory_space<hbm>> -> memref<1x625x128xf32, #tpu.memory_space<hbm>>
      %dma_start3A_11 = tpu.memref_squeeze %dma_start3A_10 : memref<1x625x128xf32, #tpu.memory_space<hbm>> -> memref<625x128xf32, #tpu.memory_space<hbm>>
      %dma_start3A_12 = arith.constant 0 : i32
      %dma_start3A_13 = tpu.memref_slice %arg10[%mul3A_2, %dma_start3A_12] : memref<10000x128xf32, #tpu.memory_space<vmem_shared>> -> memref<625x128xf32, #tpu.memory_space<vmem_shared>>
      tpu.enqueue_dma source(%dma_start3A_13 : memref<625x128xf32, #tpu.memory_space<vmem_shared>>) target(%dma_start3A_11 : memref<625x128xf32, #tpu.memory_space<hbm>>) target_semaphore(%run_scoped3A : memref<!tpu.dma_semaphore, #tpu.memory_space<semaphore_mem>>)
      %dma_wait3A = arith.constant 0 : i32
      %dma_wait3A_14 = tpu.memref_slice %arg6[%arg0, %mul3A_2, %dma_wait3A] : memref<2x10000x128xf32, #tpu.memory_space<hbm>> -> memref<1x625x128xf32, #tpu.memory_space<hbm>>
      %dma_wait3A_15 = tpu.memref_squeeze %dma_wait3A_14 : memref<1x625x128xf32, #tpu.memory_space<hbm>> -> memref<625x128xf32, #tpu.memory_space<hbm>>
      %dma_wait3A_16 = arith.constant 0 : i32
      %dma_wait3A_17 = tpu.memref_slice %arg10[%mul3A_2, %dma_wait3A_16] : memref<10000x128xf32, #tpu.memory_space<vmem_shared>> -> memref<625x128xf32, #tpu.memory_space<vmem_shared>>
      tpu.wait_dma2 semaphore(%run_scoped3A : memref<!tpu.dma_semaphore, #tpu.memory_space<semaphore_mem>>) src(%dma_wait3A_17 : memref<625x128xf32, #tpu.memory_space<vmem_shared>>) dst(%dma_wait3A_15 : memref<625x128xf32, #tpu.memory_space<hbm>>)
      tpu.yield
    }) : () -> ()
    return
  }
}

#map = affine_map<(d0, d1) -> (0, 0)>
#map1 = affine_map<(d0, d1) -> (0, 0, 0)>
module attributes {stable_mosaic.version = 14 : i64} {
  func.func @_sc_deg(%arg0: i32, %arg1: i32, %arg2: memref<4000x80xi32, #tpu.memory_space<hbm>>, %arg3: memref<80x16xf32, #tpu.memory_space<hbm>>, %arg4: memref<625x16xf32, #tpu.memory_space<hbm>>, %arg5: memref<2x10000x16xf32, #tpu.memory_space<hbm>>, %arg6: memref<125x80xi32, #tpu.memory_space<vmem>>, %arg7: memref<80x16xf32, #tpu.memory_space<vmem>>, %arg8: memref<10000x16xf32, #tpu.memory_space<vmem_shared>>) attributes {dimension_semantics = [#tpu.dimension_semantics<core_parallel>, #tpu.dimension_semantics<subcore_parallel>], iteration_bounds = array<i64: 2, 16>, scalar_prefetch = 0 : i64, scratch_operands = 3 : i64, tpu.core_type = #tpu.core_type<sc_vector_subcore>, window_params = [{transform_indices = #map}, {transform_indices = #map}, {transform_indices = #map}, {transform_indices = #map1}]} {
    %mul3A = arith.constant 2 : i32
    %mul3A_0 = arith.muli %arg1, %mul3A : i32
    %add3A = arith.addi %mul3A_0, %arg0 : i32
    %mul3A_1 = arith.constant 625 : i32
    %mul3A_2 = arith.muli %arg1, %mul3A_1 : i32
    "tpu.region"() ({
      %run_scoped3A = tpu.sem_alloc : memref<!tpu.dma_semaphore, #tpu.memory_space<semaphore_mem>>
      %dma_start3A = arith.constant 0 : i32
      %dma_start3A_10 = tpu.memref_slice %arg8[%mul3A_2, %dma_start3A] : memref<10000x16xf32, #tpu.memory_space<vmem_shared>> -> memref<625x16xf32, #tpu.memory_space<vmem_shared>>
      tpu.enqueue_dma source(%arg4 : memref<625x16xf32, #tpu.memory_space<hbm>>) target(%dma_start3A_10 : memref<625x16xf32, #tpu.memory_space<vmem_shared>>) target_semaphore(%run_scoped3A : memref<!tpu.dma_semaphore, #tpu.memory_space<semaphore_mem>>)
      %dma_wait3A = arith.constant 0 : i32
      %dma_wait3A_11 = tpu.memref_slice %arg8[%mul3A_2, %dma_wait3A] : memref<10000x16xf32, #tpu.memory_space<vmem_shared>> -> memref<625x16xf32, #tpu.memory_space<vmem_shared>>
      tpu.wait_dma2 semaphore(%run_scoped3A : memref<!tpu.dma_semaphore, #tpu.memory_space<semaphore_mem>>) src(%arg4 : memref<625x16xf32, #tpu.memory_space<hbm>>) dst(%dma_wait3A_11 : memref<625x16xf32, #tpu.memory_space<vmem_shared>>)
      tpu.yield
    }) : () -> ()
    "tpu.region"() ({
      %run_scoped3A = tpu.sem_alloc : memref<!tpu.dma_semaphore, #tpu.memory_space<semaphore_mem>>
      tpu.enqueue_dma source(%arg3 : memref<80x16xf32, #tpu.memory_space<hbm>>) target(%arg7 : memref<80x16xf32, #tpu.memory_space<vmem>>) target_semaphore(%run_scoped3A : memref<!tpu.dma_semaphore, #tpu.memory_space<semaphore_mem>>)
      tpu.wait_dma2 semaphore(%run_scoped3A : memref<!tpu.dma_semaphore, #tpu.memory_space<semaphore_mem>>) src(%arg3 : memref<80x16xf32, #tpu.memory_space<hbm>>) dst(%arg7 : memref<80x16xf32, #tpu.memory_space<vmem>>)
      tpu.yield
    }) : () -> ()
    %mul3A_3 = arith.constant 125 : i32
    %mul3A_4 = arith.muli %add3A, %mul3A_3 : i32
    "tpu.region"() ({
      %run_scoped3A = tpu.sem_alloc : memref<!tpu.dma_semaphore, #tpu.memory_space<semaphore_mem>>
      %dma_start3A = arith.constant 0 : i32
      %dma_start3A_10 = tpu.memref_slice %arg2[%mul3A_4, %dma_start3A] : memref<4000x80xi32, #tpu.memory_space<hbm>> -> memref<125x80xi32, #tpu.memory_space<hbm>>
      %dma_start3A_11 = arith.constant 0 : i32
      %dma_start3A_12 = tpu.memref_slice %arg2[%mul3A_4, %dma_start3A_11] : memref<4000x80xi32, #tpu.memory_space<hbm>> -> memref<125x80xi32, #tpu.memory_space<hbm>>
      tpu.enqueue_dma source(%dma_start3A_12 : memref<125x80xi32, #tpu.memory_space<hbm>>) target(%arg6 : memref<125x80xi32, #tpu.memory_space<vmem>>) target_semaphore(%run_scoped3A : memref<!tpu.dma_semaphore, #tpu.memory_space<semaphore_mem>>)
      %dma_wait3A = arith.constant 0 : i32
      %dma_wait3A_13 = tpu.memref_slice %arg2[%mul3A_4, %dma_wait3A] : memref<4000x80xi32, #tpu.memory_space<hbm>> -> memref<125x80xi32, #tpu.memory_space<hbm>>
      %dma_wait3A_14 = arith.constant 0 : i32
      %dma_wait3A_15 = tpu.memref_slice %arg2[%mul3A_4, %dma_wait3A_14] : memref<4000x80xi32, #tpu.memory_space<hbm>> -> memref<125x80xi32, #tpu.memory_space<hbm>>
      tpu.wait_dma2 semaphore(%run_scoped3A : memref<!tpu.dma_semaphore, #tpu.memory_space<semaphore_mem>>) src(%dma_wait3A_15 : memref<125x80xi32, #tpu.memory_space<hbm>>) dst(%arg6 : memref<125x80xi32, #tpu.memory_space<vmem>>)
      tpu.yield
    }) : () -> ()
    %barrier3A = arith.constant 0 : index
    tpu.barrier barrier_id(%barrier3A)
    %scan3A = arith.constant 0 : i32
    %scan3A_5 = arith.constant 125 : i32
    %scan3A_6 = arith.addi %scan3A, %scan3A_5 : i32
    %scan3A_7 = arith.constant 1 : i32
    scf.for %scan3A_10 = %scan3A to %scan3A_6 step %scan3A_7  : i32 {
      %mul3A_11 = arith.constant 1 : i32
      %mul3A_12 = arith.muli %scan3A_10, %mul3A_11 : i32
      %add3A_13 = arith.constant 0 : i32
      %add3A_14 = arith.addi %add3A_13, %mul3A_12 : i32
      "tpu.region"() ({
        %run_scoped3A = tpu.sem_alloc : memref<!tpu.dma_semaphore, #tpu.memory_space<semaphore_mem>>
        %dma_start3A = arith.constant 0 : i32
        %dma_start3A_15 = tpu.memref_slice %arg6[%add3A_14, %dma_start3A] : memref<125x80xi32, #tpu.memory_space<vmem>> -> memref<1x80xi32, #tpu.memory_space<vmem>>
        %dma_start3A_16 = tpu.memref_squeeze %dma_start3A_15 : memref<1x80xi32, #tpu.memory_space<vmem>> -> memref<80xi32, #tpu.memory_space<vmem>>
        %dma_start3A_17 = arith.constant 0 : i32
        %dma_start3A_18 = arith.constant 0 : i32
        %dma_start3A_19 = tpu.memref_slice %arg8[%dma_start3A_17, %dma_start3A_18] : memref<10000x16xf32, #tpu.memory_space<vmem_shared>> -> memref<10000x16xf32, #tpu.memory_space<vmem_shared>>
        tpu.enqueue_indirect_dma source(%arg7 : memref<80x16xf32, #tpu.memory_space<vmem>>) target(%dma_start3A_19 : memref<10000x16xf32, #tpu.memory_space<vmem_shared>>) offsets(%dma_start3A_16 : memref<80xi32, #tpu.memory_space<vmem>>) semaphore(%run_scoped3A : memref<!tpu.dma_semaphore, #tpu.memory_space<semaphore_mem>>) {add = true}
        %dma_wait3A = arith.constant 0 : i32
        %dma_wait3A_20 = tpu.memref_slice %arg6[%add3A_14, %dma_wait3A] : memref<125x80xi32, #tpu.memory_space<vmem>> -> memref<1x80xi32, #tpu.memory_space<vmem>>
        %dma_wait3A_21 = tpu.memref_squeeze %dma_wait3A_20 : memref<1x80xi32, #tpu.memory_space<vmem>> -> memref<80xi32, #tpu.memory_space<vmem>>
        %dma_wait3A_22 = arith.constant 0 : i32
        %dma_wait3A_23 = arith.constant 0 : i32
        %dma_wait3A_24 = tpu.memref_slice %arg8[%dma_wait3A_22, %dma_wait3A_23] : memref<10000x16xf32, #tpu.memory_space<vmem_shared>> -> memref<10000x16xf32, #tpu.memory_space<vmem_shared>>
        tpu.wait_indirect_dma semaphore(%run_scoped3A : memref<!tpu.dma_semaphore, #tpu.memory_space<semaphore_mem>>) src(%arg7 : memref<80x16xf32, #tpu.memory_space<vmem>>) dst(%dma_wait3A_24 : memref<10000x16xf32, #tpu.memory_space<vmem_shared>>)
        tpu.yield
      }) : () -> ()
    }
    %scan3A_8 = arith.constant 125 : i32
    %barrier3A_9 = arith.constant 0 : index
    tpu.barrier barrier_id(%barrier3A_9)
    "tpu.region"() ({
      %run_scoped3A = tpu.sem_alloc : memref<!tpu.dma_semaphore, #tpu.memory_space<semaphore_mem>>
      %dma_start3A = arith.constant 0 : i32
      %dma_start3A_10 = tpu.memref_slice %arg5[%arg0, %mul3A_2, %dma_start3A] : memref<2x10000x16xf32, #tpu.memory_space<hbm>> -> memref<1x625x16xf32, #tpu.memory_space<hbm>>
      %dma_start3A_11 = tpu.memref_squeeze %dma_start3A_10 : memref<1x625x16xf32, #tpu.memory_space<hbm>> -> memref<625x16xf32, #tpu.memory_space<hbm>>
      %dma_start3A_12 = arith.constant 0 : i32
      %dma_start3A_13 = tpu.memref_slice %arg8[%mul3A_2, %dma_start3A_12] : memref<10000x16xf32, #tpu.memory_space<vmem_shared>> -> memref<625x16xf32, #tpu.memory_space<vmem_shared>>
      tpu.enqueue_dma source(%dma_start3A_13 : memref<625x16xf32, #tpu.memory_space<vmem_shared>>) target(%dma_start3A_11 : memref<625x16xf32, #tpu.memory_space<hbm>>) target_semaphore(%run_scoped3A : memref<!tpu.dma_semaphore, #tpu.memory_space<semaphore_mem>>)
      %dma_wait3A = arith.constant 0 : i32
      %dma_wait3A_14 = tpu.memref_slice %arg5[%arg0, %mul3A_2, %dma_wait3A] : memref<2x10000x16xf32, #tpu.memory_space<hbm>> -> memref<1x625x16xf32, #tpu.memory_space<hbm>>
      %dma_wait3A_15 = tpu.memref_squeeze %dma_wait3A_14 : memref<1x625x16xf32, #tpu.memory_space<hbm>> -> memref<625x16xf32, #tpu.memory_space<hbm>>
      %dma_wait3A_16 = arith.constant 0 : i32
      %dma_wait3A_17 = tpu.memref_slice %arg8[%mul3A_2, %dma_wait3A_16] : memref<10000x16xf32, #tpu.memory_space<vmem_shared>> -> memref<625x16xf32, #tpu.memory_space<vmem_shared>>
      tpu.wait_dma2 semaphore(%run_scoped3A : memref<!tpu.dma_semaphore, #tpu.memory_space<semaphore_mem>>) src(%dma_wait3A_17 : memref<625x16xf32, #tpu.memory_space<vmem_shared>>) dst(%dma_wait3A_15 : memref<625x16xf32, #tpu.memory_space<hbm>>)
      tpu.yield
    }) : () -> ()
    return
  }
}

#map = affine_map<(d0, d1) -> (0, 0)>
#map1 = affine_map<(d0, d1) -> (0, 0, 0)>
module attributes {stable_mosaic.version = 14 : i64} {
  func.func @_sc_agg(%arg0: i32, %arg1: i32, %arg2: memref<10000x128xf32, #tpu.memory_space<hbm>>, %arg3: memref<4000x80xi32, #tpu.memory_space<hbm>>, %arg4: memref<4000x80xi32, #tpu.memory_space<hbm>>, %arg5: memref<625x128xf32, #tpu.memory_space<hbm>>, %arg6: memref<2x10000x128xf32, #tpu.memory_space<hbm>>, %arg7: memref<125x80xi32, #tpu.memory_space<vmem>>, %arg8: memref<125x80xi32, #tpu.memory_space<vmem>>, %arg9: memref<80x128xf32, #tpu.memory_space<vmem>>, %arg10: memref<10000x128xf32, #tpu.memory_space<vmem_shared>>) attributes {dimension_semantics = [#tpu.dimension_semantics<core_parallel>, #tpu.dimension_semantics<subcore_parallel>], iteration_bounds = array<i64: 2, 16>, scalar_prefetch = 0 : i64, scratch_operands = 4 : i64, tpu.core_type = #tpu.core_type<sc_vector_subcore>, window_params = [{transform_indices = #map}, {transform_indices = #map}, {transform_indices = #map}, {transform_indices = #map}, {transform_indices = #map1}]} {
    %mul3A = arith.constant 2 : i32
    %mul3A_0 = arith.muli %arg1, %mul3A : i32
    %add3A = arith.addi %mul3A_0, %arg0 : i32
    %mul3A_1 = arith.constant 625 : i32
    %mul3A_2 = arith.muli %arg1, %mul3A_1 : i32
    "tpu.region"() ({
      %run_scoped3A = tpu.sem_alloc : memref<!tpu.dma_semaphore, #tpu.memory_space<semaphore_mem>>
      %dma_start3A = arith.constant 0 : i32
      %dma_start3A_10 = tpu.memref_slice %arg10[%mul3A_2, %dma_start3A] : memref<10000x128xf32, #tpu.memory_space<vmem_shared>> -> memref<625x128xf32, #tpu.memory_space<vmem_shared>>
      tpu.enqueue_dma source(%arg5 : memref<625x128xf32, #tpu.memory_space<hbm>>) target(%dma_start3A_10 : memref<625x128xf32, #tpu.memory_space<vmem_shared>>) target_semaphore(%run_scoped3A : memref<!tpu.dma_semaphore, #tpu.memory_space<semaphore_mem>>)
      %dma_wait3A = arith.constant 0 : i32
      %dma_wait3A_11 = tpu.memref_slice %arg10[%mul3A_2, %dma_wait3A] : memref<10000x128xf32, #tpu.memory_space<vmem_shared>> -> memref<625x128xf32, #tpu.memory_space<vmem_shared>>
      tpu.wait_dma2 semaphore(%run_scoped3A : memref<!tpu.dma_semaphore, #tpu.memory_space<semaphore_mem>>) src(%arg5 : memref<625x128xf32, #tpu.memory_space<hbm>>) dst(%dma_wait3A_11 : memref<625x128xf32, #tpu.memory_space<vmem_shared>>)
      tpu.yield
    }) : () -> ()
    %mul3A_3 = arith.constant 125 : i32
    %mul3A_4 = arith.muli %add3A, %mul3A_3 : i32
    "tpu.region"() ({
      %run_scoped3A = tpu.sem_alloc : memref<!tpu.dma_semaphore, #tpu.memory_space<semaphore_mem>>
      %dma_start3A = arith.constant 0 : i32
      %dma_start3A_10 = tpu.memref_slice %arg3[%mul3A_4, %dma_start3A] : memref<4000x80xi32, #tpu.memory_space<hbm>> -> memref<125x80xi32, #tpu.memory_space<hbm>>
      %dma_start3A_11 = arith.constant 0 : i32
      %dma_start3A_12 = tpu.memref_slice %arg3[%mul3A_4, %dma_start3A_11] : memref<4000x80xi32, #tpu.memory_space<hbm>> -> memref<125x80xi32, #tpu.memory_space<hbm>>
      tpu.enqueue_dma source(%dma_start3A_12 : memref<125x80xi32, #tpu.memory_space<hbm>>) target(%arg7 : memref<125x80xi32, #tpu.memory_space<vmem>>) target_semaphore(%run_scoped3A : memref<!tpu.dma_semaphore, #tpu.memory_space<semaphore_mem>>)
      %dma_wait3A = arith.constant 0 : i32
      %dma_wait3A_13 = tpu.memref_slice %arg3[%mul3A_4, %dma_wait3A] : memref<4000x80xi32, #tpu.memory_space<hbm>> -> memref<125x80xi32, #tpu.memory_space<hbm>>
      %dma_wait3A_14 = arith.constant 0 : i32
      %dma_wait3A_15 = tpu.memref_slice %arg3[%mul3A_4, %dma_wait3A_14] : memref<4000x80xi32, #tpu.memory_space<hbm>> -> memref<125x80xi32, #tpu.memory_space<hbm>>
      tpu.wait_dma2 semaphore(%run_scoped3A : memref<!tpu.dma_semaphore, #tpu.memory_space<semaphore_mem>>) src(%dma_wait3A_15 : memref<125x80xi32, #tpu.memory_space<hbm>>) dst(%arg7 : memref<125x80xi32, #tpu.memory_space<vmem>>)
      tpu.yield
    }) : () -> ()
    "tpu.region"() ({
      %run_scoped3A = tpu.sem_alloc : memref<!tpu.dma_semaphore, #tpu.memory_space<semaphore_mem>>
      %dma_start3A = arith.constant 0 : i32
      %dma_start3A_10 = tpu.memref_slice %arg4[%mul3A_4, %dma_start3A] : memref<4000x80xi32, #tpu.memory_space<hbm>> -> memref<125x80xi32, #tpu.memory_space<hbm>>
      %dma_start3A_11 = arith.constant 0 : i32
      %dma_start3A_12 = tpu.memref_slice %arg4[%mul3A_4, %dma_start3A_11] : memref<4000x80xi32, #tpu.memory_space<hbm>> -> memref<125x80xi32, #tpu.memory_space<hbm>>
      tpu.enqueue_dma source(%dma_start3A_12 : memref<125x80xi32, #tpu.memory_space<hbm>>) target(%arg8 : memref<125x80xi32, #tpu.memory_space<vmem>>) target_semaphore(%run_scoped3A : memref<!tpu.dma_semaphore, #tpu.memory_space<semaphore_mem>>)
      %dma_wait3A = arith.constant 0 : i32
      %dma_wait3A_13 = tpu.memref_slice %arg4[%mul3A_4, %dma_wait3A] : memref<4000x80xi32, #tpu.memory_space<hbm>> -> memref<125x80xi32, #tpu.memory_space<hbm>>
      %dma_wait3A_14 = arith.constant 0 : i32
      %dma_wait3A_15 = tpu.memref_slice %arg4[%mul3A_4, %dma_wait3A_14] : memref<4000x80xi32, #tpu.memory_space<hbm>> -> memref<125x80xi32, #tpu.memory_space<hbm>>
      tpu.wait_dma2 semaphore(%run_scoped3A : memref<!tpu.dma_semaphore, #tpu.memory_space<semaphore_mem>>) src(%dma_wait3A_15 : memref<125x80xi32, #tpu.memory_space<hbm>>) dst(%arg8 : memref<125x80xi32, #tpu.memory_space<vmem>>)
      tpu.yield
    }) : () -> ()
    %barrier3A = arith.constant 0 : index
    tpu.barrier barrier_id(%barrier3A)
    %scan3A = arith.constant 0 : i32
    %scan3A_5 = arith.constant 125 : i32
    %scan3A_6 = arith.addi %scan3A, %scan3A_5 : i32
    %scan3A_7 = arith.constant 1 : i32
    scf.for %scan3A_10 = %scan3A to %scan3A_6 step %scan3A_7  : i32 {
      %mul3A_11 = arith.constant 1 : i32
      %mul3A_12 = arith.muli %scan3A_10, %mul3A_11 : i32
      %add3A_13 = arith.constant 0 : i32
      %add3A_14 = arith.addi %add3A_13, %mul3A_12 : i32
      "tpu.region"() ({
        %run_scoped3A = tpu.sem_alloc : memref<!tpu.dma_semaphore, #tpu.memory_space<semaphore_mem>>
        %dma_start3A = arith.constant 0 : i32
        %dma_start3A_15 = tpu.memref_slice %arg7[%add3A_14, %dma_start3A] : memref<125x80xi32, #tpu.memory_space<vmem>> -> memref<1x80xi32, #tpu.memory_space<vmem>>
        %dma_start3A_16 = tpu.memref_squeeze %dma_start3A_15 : memref<1x80xi32, #tpu.memory_space<vmem>> -> memref<80xi32, #tpu.memory_space<vmem>>
        %dma_start3A_17 = arith.constant 0 : i32
        %dma_start3A_18 = arith.constant 0 : i32
        %dma_start3A_19 = tpu.memref_slice %arg2[%dma_start3A_17, %dma_start3A_18] : memref<10000x128xf32, #tpu.memory_space<hbm>> -> memref<10000x128xf32, #tpu.memory_space<hbm>>
        tpu.enqueue_indirect_dma source(%dma_start3A_19 : memref<10000x128xf32, #tpu.memory_space<hbm>>) target(%arg9 : memref<80x128xf32, #tpu.memory_space<vmem>>) offsets(%dma_start3A_16 : memref<80xi32, #tpu.memory_space<vmem>>) semaphore(%run_scoped3A : memref<!tpu.dma_semaphore, #tpu.memory_space<semaphore_mem>>)
        %dma_wait3A = arith.constant 0 : i32
        %dma_wait3A_20 = tpu.memref_slice %arg7[%add3A_14, %dma_wait3A] : memref<125x80xi32, #tpu.memory_space<vmem>> -> memref<1x80xi32, #tpu.memory_space<vmem>>
        %dma_wait3A_21 = tpu.memref_squeeze %dma_wait3A_20 : memref<1x80xi32, #tpu.memory_space<vmem>> -> memref<80xi32, #tpu.memory_space<vmem>>
        %dma_wait3A_22 = arith.constant 0 : i32
        %dma_wait3A_23 = arith.constant 0 : i32
        %dma_wait3A_24 = tpu.memref_slice %arg2[%dma_wait3A_22, %dma_wait3A_23] : memref<10000x128xf32, #tpu.memory_space<hbm>> -> memref<10000x128xf32, #tpu.memory_space<hbm>>
        tpu.wait_indirect_dma semaphore(%run_scoped3A : memref<!tpu.dma_semaphore, #tpu.memory_space<semaphore_mem>>) src(%dma_wait3A_24 : memref<10000x128xf32, #tpu.memory_space<hbm>>) dst(%arg9 : memref<80x128xf32, #tpu.memory_space<vmem>>)
        tpu.yield
      }) : () -> ()
      "tpu.region"() ({
        %run_scoped3A = tpu.sem_alloc : memref<!tpu.dma_semaphore, #tpu.memory_space<semaphore_mem>>
        %dma_start3A = arith.constant 0 : i32
        %dma_start3A_15 = tpu.memref_slice %arg8[%add3A_14, %dma_start3A] : memref<125x80xi32, #tpu.memory_space<vmem>> -> memref<1x80xi32, #tpu.memory_space<vmem>>
        %dma_start3A_16 = tpu.memref_squeeze %dma_start3A_15 : memref<1x80xi32, #tpu.memory_space<vmem>> -> memref<80xi32, #tpu.memory_space<vmem>>
        %dma_start3A_17 = arith.constant 0 : i32
        %dma_start3A_18 = arith.constant 0 : i32
        %dma_start3A_19 = tpu.memref_slice %arg10[%dma_start3A_17, %dma_start3A_18] : memref<10000x128xf32, #tpu.memory_space<vmem_shared>> -> memref<10000x128xf32, #tpu.memory_space<vmem_shared>>
        tpu.enqueue_indirect_dma source(%arg9 : memref<80x128xf32, #tpu.memory_space<vmem>>) target(%dma_start3A_19 : memref<10000x128xf32, #tpu.memory_space<vmem_shared>>) offsets(%dma_start3A_16 : memref<80xi32, #tpu.memory_space<vmem>>) semaphore(%run_scoped3A : memref<!tpu.dma_semaphore, #tpu.memory_space<semaphore_mem>>) {add = true}
        %dma_wait3A = arith.constant 0 : i32
        %dma_wait3A_20 = tpu.memref_slice %arg8[%add3A_14, %dma_wait3A] : memref<125x80xi32, #tpu.memory_space<vmem>> -> memref<1x80xi32, #tpu.memory_space<vmem>>
        %dma_wait3A_21 = tpu.memref_squeeze %dma_wait3A_20 : memref<1x80xi32, #tpu.memory_space<vmem>> -> memref<80xi32, #tpu.memory_space<vmem>>
        %dma_wait3A_22 = arith.constant 0 : i32
        %dma_wait3A_23 = arith.constant 0 : i32
        %dma_wait3A_24 = tpu.memref_slice %arg10[%dma_wait3A_22, %dma_wait3A_23] : memref<10000x128xf32, #tpu.memory_space<vmem_shared>> -> memref<10000x128xf32, #tpu.memory_space<vmem_shared>>
        tpu.wait_indirect_dma semaphore(%run_scoped3A : memref<!tpu.dma_semaphore, #tpu.memory_space<semaphore_mem>>) src(%arg9 : memref<80x128xf32, #tpu.memory_space<vmem>>) dst(%dma_wait3A_24 : memref<10000x128xf32, #tpu.memory_space<vmem_shared>>)
        tpu.yield
      }) : () -> ()
    }
    %scan3A_8 = arith.constant 125 : i32
    %barrier3A_9 = arith.constant 0 : index
    tpu.barrier barrier_id(%barrier3A_9)
    "tpu.region"() ({
      %run_scoped3A = tpu.sem_alloc : memref<!tpu.dma_semaphore, #tpu.memory_space<semaphore_mem>>
      %dma_start3A = arith.constant 0 : i32
      %dma_start3A_10 = tpu.memref_slice %arg6[%arg0, %mul3A_2, %dma_start3A] : memref<2x10000x128xf32, #tpu.memory_space<hbm>> -> memref<1x625x128xf32, #tpu.memory_space<hbm>>
      %dma_start3A_11 = tpu.memref_squeeze %dma_start3A_10 : memref<1x625x128xf32, #tpu.memory_space<hbm>> -> memref<625x128xf32, #tpu.memory_space<hbm>>
      %dma_start3A_12 = arith.constant 0 : i32
      %dma_start3A_13 = tpu.memref_slice %arg10[%mul3A_2, %dma_start3A_12] : memref<10000x128xf32, #tpu.memory_space<vmem_shared>> -> memref<625x128xf32, #tpu.memory_space<vmem_shared>>
      tpu.enqueue_dma source(%dma_start3A_13 : memref<625x128xf32, #tpu.memory_space<vmem_shared>>) target(%dma_start3A_11 : memref<625x128xf32, #tpu.memory_space<hbm>>) target_semaphore(%run_scoped3A : memref<!tpu.dma_semaphore, #tpu.memory_space<semaphore_mem>>)
      %dma_wait3A = arith.constant 0 : i32
      %dma_wait3A_14 = tpu.memref_slice %arg6[%arg0, %mul3A_2, %dma_wait3A] : memref<2x10000x128xf32, #tpu.memory_space<hbm>> -> memref<1x625x128xf32, #tpu.memory_space<hbm>>
      %dma_wait3A_15 = tpu.memref_squeeze %dma_wait3A_14 : memref<1x625x128xf32, #tpu.memory_space<hbm>> -> memref<625x128xf32, #tpu.memory_space<hbm>>
      %dma_wait3A_16 = arith.constant 0 : i32
      %dma_wait3A_17 = tpu.memref_slice %arg10[%mul3A_2, %dma_wait3A_16] : memref<10000x128xf32, #tpu.memory_space<vmem_shared>> -> memref<625x128xf32, #tpu.memory_space<vmem_shared>>
      tpu.wait_dma2 semaphore(%run_scoped3A : memref<!tpu.dma_semaphore, #tpu.memory_space<semaphore_mem>>) src(%dma_wait3A_17 : memref<625x128xf32, #tpu.memory_space<vmem_shared>>) dst(%dma_wait3A_15 : memref<625x128xf32, #tpu.memory_space<hbm>>)
      tpu.yield
    }) : () -> ()
    return
  }
}

#map = affine_map<(d0, d1) -> (0, 0)>
#map1 = affine_map<(d0, d1) -> (0, 0, 0)>
module attributes {stable_mosaic.version = 14 : i64} {
  func.func @_sc_agg(%arg0: i32, %arg1: i32, %arg2: memref<10000x128xf32, #tpu.memory_space<hbm>>, %arg3: memref<4000x80xi32, #tpu.memory_space<hbm>>, %arg4: memref<4000x80xi32, #tpu.memory_space<hbm>>, %arg5: memref<625x128xf32, #tpu.memory_space<hbm>>, %arg6: memref<2x10000x128xf32, #tpu.memory_space<hbm>>, %arg7: memref<125x80xi32, #tpu.memory_space<vmem>>, %arg8: memref<125x80xi32, #tpu.memory_space<vmem>>, %arg9: memref<80x128xf32, #tpu.memory_space<vmem>>, %arg10: memref<10000x128xf32, #tpu.memory_space<vmem_shared>>) attributes {dimension_semantics = [#tpu.dimension_semantics<core_parallel>, #tpu.dimension_semantics<subcore_parallel>], iteration_bounds = array<i64: 2, 16>, scalar_prefetch = 0 : i64, scratch_operands = 4 : i64, tpu.core_type = #tpu.core_type<sc_vector_subcore>, window_params = [{transform_indices = #map}, {transform_indices = #map}, {transform_indices = #map}, {transform_indices = #map}, {transform_indices = #map1}]} {
    %mul3A = arith.constant 2 : i32
    %mul3A_0 = arith.muli %arg1, %mul3A : i32
    %add3A = arith.addi %mul3A_0, %arg0 : i32
    %mul3A_1 = arith.constant 625 : i32
    %mul3A_2 = arith.muli %arg1, %mul3A_1 : i32
    "tpu.region"() ({
      %run_scoped3A = tpu.sem_alloc : memref<!tpu.dma_semaphore, #tpu.memory_space<semaphore_mem>>
      %dma_start3A = arith.constant 0 : i32
      %dma_start3A_10 = tpu.memref_slice %arg10[%mul3A_2, %dma_start3A] : memref<10000x128xf32, #tpu.memory_space<vmem_shared>> -> memref<625x128xf32, #tpu.memory_space<vmem_shared>>
      tpu.enqueue_dma source(%arg5 : memref<625x128xf32, #tpu.memory_space<hbm>>) target(%dma_start3A_10 : memref<625x128xf32, #tpu.memory_space<vmem_shared>>) target_semaphore(%run_scoped3A : memref<!tpu.dma_semaphore, #tpu.memory_space<semaphore_mem>>)
      %dma_wait3A = arith.constant 0 : i32
      %dma_wait3A_11 = tpu.memref_slice %arg10[%mul3A_2, %dma_wait3A] : memref<10000x128xf32, #tpu.memory_space<vmem_shared>> -> memref<625x128xf32, #tpu.memory_space<vmem_shared>>
      tpu.wait_dma2 semaphore(%run_scoped3A : memref<!tpu.dma_semaphore, #tpu.memory_space<semaphore_mem>>) src(%arg5 : memref<625x128xf32, #tpu.memory_space<hbm>>) dst(%dma_wait3A_11 : memref<625x128xf32, #tpu.memory_space<vmem_shared>>)
      tpu.yield
    }) : () -> ()
    %mul3A_3 = arith.constant 125 : i32
    %mul3A_4 = arith.muli %add3A, %mul3A_3 : i32
    "tpu.region"() ({
      %run_scoped3A = tpu.sem_alloc : memref<!tpu.dma_semaphore, #tpu.memory_space<semaphore_mem>>
      %dma_start3A = arith.constant 0 : i32
      %dma_start3A_10 = tpu.memref_slice %arg3[%mul3A_4, %dma_start3A] : memref<4000x80xi32, #tpu.memory_space<hbm>> -> memref<125x80xi32, #tpu.memory_space<hbm>>
      %dma_start3A_11 = arith.constant 0 : i32
      %dma_start3A_12 = tpu.memref_slice %arg3[%mul3A_4, %dma_start3A_11] : memref<4000x80xi32, #tpu.memory_space<hbm>> -> memref<125x80xi32, #tpu.memory_space<hbm>>
      tpu.enqueue_dma source(%dma_start3A_12 : memref<125x80xi32, #tpu.memory_space<hbm>>) target(%arg7 : memref<125x80xi32, #tpu.memory_space<vmem>>) target_semaphore(%run_scoped3A : memref<!tpu.dma_semaphore, #tpu.memory_space<semaphore_mem>>)
      %dma_wait3A = arith.constant 0 : i32
      %dma_wait3A_13 = tpu.memref_slice %arg3[%mul3A_4, %dma_wait3A] : memref<4000x80xi32, #tpu.memory_space<hbm>> -> memref<125x80xi32, #tpu.memory_space<hbm>>
      %dma_wait3A_14 = arith.constant 0 : i32
      %dma_wait3A_15 = tpu.memref_slice %arg3[%mul3A_4, %dma_wait3A_14] : memref<4000x80xi32, #tpu.memory_space<hbm>> -> memref<125x80xi32, #tpu.memory_space<hbm>>
      tpu.wait_dma2 semaphore(%run_scoped3A : memref<!tpu.dma_semaphore, #tpu.memory_space<semaphore_mem>>) src(%dma_wait3A_15 : memref<125x80xi32, #tpu.memory_space<hbm>>) dst(%arg7 : memref<125x80xi32, #tpu.memory_space<vmem>>)
      tpu.yield
    }) : () -> ()
    "tpu.region"() ({
      %run_scoped3A = tpu.sem_alloc : memref<!tpu.dma_semaphore, #tpu.memory_space<semaphore_mem>>
      %dma_start3A = arith.constant 0 : i32
      %dma_start3A_10 = tpu.memref_slice %arg4[%mul3A_4, %dma_start3A] : memref<4000x80xi32, #tpu.memory_space<hbm>> -> memref<125x80xi32, #tpu.memory_space<hbm>>
      %dma_start3A_11 = arith.constant 0 : i32
      %dma_start3A_12 = tpu.memref_slice %arg4[%mul3A_4, %dma_start3A_11] : memref<4000x80xi32, #tpu.memory_space<hbm>> -> memref<125x80xi32, #tpu.memory_space<hbm>>
      tpu.enqueue_dma source(%dma_start3A_12 : memref<125x80xi32, #tpu.memory_space<hbm>>) target(%arg8 : memref<125x80xi32, #tpu.memory_space<vmem>>) target_semaphore(%run_scoped3A : memref<!tpu.dma_semaphore, #tpu.memory_space<semaphore_mem>>)
      %dma_wait3A = arith.constant 0 : i32
      %dma_wait3A_13 = tpu.memref_slice %arg4[%mul3A_4, %dma_wait3A] : memref<4000x80xi32, #tpu.memory_space<hbm>> -> memref<125x80xi32, #tpu.memory_space<hbm>>
      %dma_wait3A_14 = arith.constant 0 : i32
      %dma_wait3A_15 = tpu.memref_slice %arg4[%mul3A_4, %dma_wait3A_14] : memref<4000x80xi32, #tpu.memory_space<hbm>> -> memref<125x80xi32, #tpu.memory_space<hbm>>
      tpu.wait_dma2 semaphore(%run_scoped3A : memref<!tpu.dma_semaphore, #tpu.memory_space<semaphore_mem>>) src(%dma_wait3A_15 : memref<125x80xi32, #tpu.memory_space<hbm>>) dst(%arg8 : memref<125x80xi32, #tpu.memory_space<vmem>>)
      tpu.yield
    }) : () -> ()
    %barrier3A = arith.constant 0 : index
    tpu.barrier barrier_id(%barrier3A)
    %scan3A = arith.constant 0 : i32
    %scan3A_5 = arith.constant 125 : i32
    %scan3A_6 = arith.addi %scan3A, %scan3A_5 : i32
    %scan3A_7 = arith.constant 1 : i32
    scf.for %scan3A_10 = %scan3A to %scan3A_6 step %scan3A_7  : i32 {
      %mul3A_11 = arith.constant 1 : i32
      %mul3A_12 = arith.muli %scan3A_10, %mul3A_11 : i32
      %add3A_13 = arith.constant 0 : i32
      %add3A_14 = arith.addi %add3A_13, %mul3A_12 : i32
      "tpu.region"() ({
        %run_scoped3A = tpu.sem_alloc : memref<!tpu.dma_semaphore, #tpu.memory_space<semaphore_mem>>
        %dma_start3A = arith.constant 0 : i32
        %dma_start3A_15 = tpu.memref_slice %arg7[%add3A_14, %dma_start3A] : memref<125x80xi32, #tpu.memory_space<vmem>> -> memref<1x80xi32, #tpu.memory_space<vmem>>
        %dma_start3A_16 = tpu.memref_squeeze %dma_start3A_15 : memref<1x80xi32, #tpu.memory_space<vmem>> -> memref<80xi32, #tpu.memory_space<vmem>>
        %dma_start3A_17 = arith.constant 0 : i32
        %dma_start3A_18 = arith.constant 0 : i32
        %dma_start3A_19 = tpu.memref_slice %arg2[%dma_start3A_17, %dma_start3A_18] : memref<10000x128xf32, #tpu.memory_space<hbm>> -> memref<10000x128xf32, #tpu.memory_space<hbm>>
        tpu.enqueue_indirect_dma source(%dma_start3A_19 : memref<10000x128xf32, #tpu.memory_space<hbm>>) target(%arg9 : memref<80x128xf32, #tpu.memory_space<vmem>>) offsets(%dma_start3A_16 : memref<80xi32, #tpu.memory_space<vmem>>) semaphore(%run_scoped3A : memref<!tpu.dma_semaphore, #tpu.memory_space<semaphore_mem>>)
        %dma_wait3A = arith.constant 0 : i32
        %dma_wait3A_20 = tpu.memref_slice %arg7[%add3A_14, %dma_wait3A] : memref<125x80xi32, #tpu.memory_space<vmem>> -> memref<1x80xi32, #tpu.memory_space<vmem>>
        %dma_wait3A_21 = tpu.memref_squeeze %dma_wait3A_20 : memref<1x80xi32, #tpu.memory_space<vmem>> -> memref<80xi32, #tpu.memory_space<vmem>>
        %dma_wait3A_22 = arith.constant 0 : i32
        %dma_wait3A_23 = arith.constant 0 : i32
        %dma_wait3A_24 = tpu.memref_slice %arg2[%dma_wait3A_22, %dma_wait3A_23] : memref<10000x128xf32, #tpu.memory_space<hbm>> -> memref<10000x128xf32, #tpu.memory_space<hbm>>
        tpu.wait_indirect_dma semaphore(%run_scoped3A : memref<!tpu.dma_semaphore, #tpu.memory_space<semaphore_mem>>) src(%dma_wait3A_24 : memref<10000x128xf32, #tpu.memory_space<hbm>>) dst(%arg9 : memref<80x128xf32, #tpu.memory_space<vmem>>)
        tpu.yield
      }) : () -> ()
      "tpu.region"() ({
        %run_scoped3A = tpu.sem_alloc : memref<!tpu.dma_semaphore, #tpu.memory_space<semaphore_mem>>
        %dma_start3A = arith.constant 0 : i32
        %dma_start3A_15 = tpu.memref_slice %arg8[%add3A_14, %dma_start3A] : memref<125x80xi32, #tpu.memory_space<vmem>> -> memref<1x80xi32, #tpu.memory_space<vmem>>
        %dma_start3A_16 = tpu.memref_squeeze %dma_start3A_15 : memref<1x80xi32, #tpu.memory_space<vmem>> -> memref<80xi32, #tpu.memory_space<vmem>>
        %dma_start3A_17 = arith.constant 0 : i32
        %dma_start3A_18 = arith.constant 0 : i32
        %dma_start3A_19 = tpu.memref_slice %arg10[%dma_start3A_17, %dma_start3A_18] : memref<10000x128xf32, #tpu.memory_space<vmem_shared>> -> memref<10000x128xf32, #tpu.memory_space<vmem_shared>>
        tpu.enqueue_indirect_dma source(%arg9 : memref<80x128xf32, #tpu.memory_space<vmem>>) target(%dma_start3A_19 : memref<10000x128xf32, #tpu.memory_space<vmem_shared>>) offsets(%dma_start3A_16 : memref<80xi32, #tpu.memory_space<vmem>>) semaphore(%run_scoped3A : memref<!tpu.dma_semaphore, #tpu.memory_space<semaphore_mem>>) {add = true}
        %dma_wait3A = arith.constant 0 : i32
        %dma_wait3A_20 = tpu.memref_slice %arg8[%add3A_14, %dma_wait3A] : memref<125x80xi32, #tpu.memory_space<vmem>> -> memref<1x80xi32, #tpu.memory_space<vmem>>
        %dma_wait3A_21 = tpu.memref_squeeze %dma_wait3A_20 : memref<1x80xi32, #tpu.memory_space<vmem>> -> memref<80xi32, #tpu.memory_space<vmem>>
        %dma_wait3A_22 = arith.constant 0 : i32
        %dma_wait3A_23 = arith.constant 0 : i32
        %dma_wait3A_24 = tpu.memref_slice %arg10[%dma_wait3A_22, %dma_wait3A_23] : memref<10000x128xf32, #tpu.memory_space<vmem_shared>> -> memref<10000x128xf32, #tpu.memory_space<vmem_shared>>
        tpu.wait_indirect_dma semaphore(%run_scoped3A : memref<!tpu.dma_semaphore, #tpu.memory_space<semaphore_mem>>) src(%arg9 : memref<80x128xf32, #tpu.memory_space<vmem>>) dst(%dma_wait3A_24 : memref<10000x128xf32, #tpu.memory_space<vmem_shared>>)
        tpu.yield
      }) : () -> ()
    }
    %scan3A_8 = arith.constant 125 : i32
    %barrier3A_9 = arith.constant 0 : index
    tpu.barrier barrier_id(%barrier3A_9)
    "tpu.region"() ({
      %run_scoped3A = tpu.sem_alloc : memref<!tpu.dma_semaphore, #tpu.memory_space<semaphore_mem>>
      %dma_start3A = arith.constant 0 : i32
      %dma_start3A_10 = tpu.memref_slice %arg6[%arg0, %mul3A_2, %dma_start3A] : memref<2x10000x128xf32, #tpu.memory_space<hbm>> -> memref<1x625x128xf32, #tpu.memory_space<hbm>>
      %dma_start3A_11 = tpu.memref_squeeze %dma_start3A_10 : memref<1x625x128xf32, #tpu.memory_space<hbm>> -> memref<625x128xf32, #tpu.memory_space<hbm>>
      %dma_start3A_12 = arith.constant 0 : i32
      %dma_start3A_13 = tpu.memref_slice %arg10[%mul3A_2, %dma_start3A_12] : memref<10000x128xf32, #tpu.memory_space<vmem_shared>> -> memref<625x128xf32, #tpu.memory_space<vmem_shared>>
      tpu.enqueue_dma source(%dma_start3A_13 : memref<625x128xf32, #tpu.memory_space<vmem_shared>>) target(%dma_start3A_11 : memref<625x128xf32, #tpu.memory_space<hbm>>) target_semaphore(%run_scoped3A : memref<!tpu.dma_semaphore, #tpu.memory_space<semaphore_mem>>)
      %dma_wait3A = arith.constant 0 : i32
      %dma_wait3A_14 = tpu.memref_slice %arg6[%arg0, %mul3A_2, %dma_wait3A] : memref<2x10000x128xf32, #tpu.memory_space<hbm>> -> memref<1x625x128xf32, #tpu.memory_space<hbm>>
      %dma_wait3A_15 = tpu.memref_squeeze %dma_wait3A_14 : memref<1x625x128xf32, #tpu.memory_space<hbm>> -> memref<625x128xf32, #tpu.memory_space<hbm>>
      %dma_wait3A_16 = arith.constant 0 : i32
      %dma_wait3A_17 = tpu.memref_slice %arg10[%mul3A_2, %dma_wait3A_16] : memref<10000x128xf32, #tpu.memory_space<vmem_shared>> -> memref<625x128xf32, #tpu.memory_space<vmem_shared>>
      tpu.wait_dma2 semaphore(%run_scoped3A : memref<!tpu.dma_semaphore, #tpu.memory_space<semaphore_mem>>) src(%dma_wait3A_17 : memref<625x128xf32, #tpu.memory_space<vmem_shared>>) dst(%dma_wait3A_15 : memref<625x128xf32, #tpu.memory_space<hbm>>)
      tpu.yield
    }) : () -> ()
    return
  }
}

module attributes {stable_mosaic.version = 14 : i64} {
  func.func @_pre_body(%arg0: i32, %arg1: memref<1000x128xf32, #tpu.memory_space<vmem>>, %arg2: memref<128x128xf32, #tpu.memory_space<vmem>>, %arg3: memref<128xf32, #tpu.memory_space<vmem>>, %arg4: memref<128x128xf32, #tpu.memory_space<vmem>>, %arg5: memref<128xf32, #tpu.memory_space<vmem>>, %arg6: memref<1000x128xf32, #tpu.memory_space<vmem>>) attributes {dimension_semantics = [#tpu.dimension_semantics<arbitrary>], iteration_bounds = array<i64: 10>, scalar_prefetch = 0 : i64, scratch_operands = 0 : i64, tpu.core_type = #tpu.core_type<tc>, window_params = [{transform_indices = @transform_0, window_bounds = array<i64: 1000, 128>}, {pipeline_mode = #tpu.pipeline_mode<synchronous>, transform_indices = @transform_1, window_bounds = array<i64: 128, 128>}, {pipeline_mode = #tpu.pipeline_mode<synchronous>, transform_indices = @transform_2, window_bounds = array<i64: 128>}, {pipeline_mode = #tpu.pipeline_mode<synchronous>, transform_indices = @transform_3, window_bounds = array<i64: 128, 128>}, {pipeline_mode = #tpu.pipeline_mode<synchronous>, transform_indices = @transform_4, window_bounds = array<i64: 128>}, {transform_indices = @transform_5, window_bounds = array<i64: 1000, 128>}]} {
    %get3A = arith.constant 0 : index
    %get3A_0 = arith.constant 0 : index
    %get3A_1 = vector.load %arg1[%get3A, %get3A_0] : memref<1000x128xf32, #tpu.memory_space<vmem>>, vector<1000x128xf32>
    %get3A_2 = arith.constant 0 : index
    %get3A_3 = arith.constant 0 : index
    %get3A_4 = vector.load %arg2[%get3A_2, %get3A_3] : memref<128x128xf32, #tpu.memory_space<vmem>>, vector<128x128xf32>
    %get3A_5 = arith.constant 0 : index
    %get3A_6 = vector.load %arg3[%get3A_5] : memref<128xf32, #tpu.memory_space<vmem>>, vector<128xf32>
    %dot_general3A = arith.constant dense<0.000000e+00> : vector<1000x128xf32>
    %dot_general3A_7 = tpu.matmul %get3A_1, %get3A_4, %dot_general3A {dimension_numbers = #tpu.dot_dimension_numbers<[1], [0], [0], [1], [0, 0, 1, 1], [], []>, transpose_lhs_hint = false} : vector<1000x128xf32>, vector<128x128xf32>, vector<1000x128xf32> -> vector<1000x128xf32>
    %broadcast_in_dim3A = vector.shape_cast %get3A_6 : vector<128xf32> to vector<1x128xf32>
    %add3A = vector.broadcast %broadcast_in_dim3A : vector<1x128xf32> to vector<1000x128xf32>
    %add3A_8 = arith.addf %dot_general3A_7, %add3A : vector<1000x128xf32>
    %get3A_9 = arith.constant 0 : index
    %get3A_10 = arith.constant 0 : index
    %get3A_11 = vector.load %arg4[%get3A_9, %get3A_10] : memref<128x128xf32, #tpu.memory_space<vmem>>, vector<128x128xf32>
    %get3A_12 = arith.constant 0 : index
    %get3A_13 = vector.load %arg5[%get3A_12] : memref<128xf32, #tpu.memory_space<vmem>>, vector<128xf32>
    %dot_general3A_14 = arith.constant dense<0.000000e+00> : vector<1000x128xf32>
    %dot_general3A_15 = tpu.matmul %add3A_8, %get3A_11, %dot_general3A_14 {dimension_numbers = #tpu.dot_dimension_numbers<[1], [0], [0], [1], [0, 0, 1, 1], [], []>, transpose_lhs_hint = false} : vector<1000x128xf32>, vector<128x128xf32>, vector<1000x128xf32> -> vector<1000x128xf32>
    %broadcast_in_dim3A_16 = vector.shape_cast %get3A_13 : vector<128xf32> to vector<1x128xf32>
    %add3A_17 = vector.broadcast %broadcast_in_dim3A_16 : vector<1x128xf32> to vector<1000x128xf32>
    %add3A_18 = arith.addf %dot_general3A_15, %add3A_17 : vector<1000x128xf32>
    %swap3A = arith.constant 0 : index
    %swap3A_19 = arith.constant 0 : index
    %swap3A_20 = vector.load %arg6[%swap3A, %swap3A_19] : memref<1000x128xf32, #tpu.memory_space<vmem>>, vector<1000x128xf32>
    tpu.vector_store %arg6[%swap3A, %swap3A_19], %add3A_18 {strides = array<i32>} : memref<1000x128xf32, #tpu.memory_space<vmem>>, vector<1000x128xf32>,
    return
  }
  func.func @transform_0(%arg0: i32) -> (i32, i32) {
    %c0_i32 = arith.constant 0 : i32
    %c0_i32_0 = arith.constant 0 : i32
    return %arg0, %c0_i32 : i32, i32
  }
  func.func @transform_1(%arg0: i32) -> (i32, i32) {
    %c0_i32 = arith.constant 0 : i32
    %c0_i32_0 = arith.constant 0 : i32
    %c0_i32_1 = arith.constant 0 : i32
    return %c0_i32, %c0_i32_0 : i32, i32
  }
  func.func @transform_2(%arg0: i32) -> i32 {
    %c0_i32 = arith.constant 0 : i32
    %c0_i32_0 = arith.constant 0 : i32
    return %c0_i32 : i32
  }
  func.func @transform_3(%arg0: i32) -> (i32, i32) {
    %c0_i32 = arith.constant 0 : i32
    %c0_i32_0 = arith.constant 0 : i32
    %c0_i32_1 = arith.constant 0 : i32
    return %c0_i32, %c0_i32_0 : i32, i32
  }
  func.func @transform_4(%arg0: i32) -> i32 {
    %c0_i32 = arith.constant 0 : i32
    %c0_i32_0 = arith.constant 0 : i32
    return %c0_i32 : i32
  }
  func.func @transform_5(%arg0: i32) -> (i32, i32) {
    %c0_i32 = arith.constant 0 : i32
    %c0_i32_0 = arith.constant 0 : i32
    return %arg0, %c0_i32 : i32, i32
  }
}

module attributes {stable_mosaic.version = 14 : i64} {
  func.func @_mid_body(%arg0: i32, %arg1: memref<1000x128xf32, #tpu.memory_space<vmem>>, %arg2: memref<2x1000x128xf32, #tpu.memory_space<vmem>>, %arg3: memref<2x1000x16xf32, #tpu.memory_space<vmem>>, %arg4: memref<128x128xf32, #tpu.memory_space<vmem>>, %arg5: memref<128xf32, #tpu.memory_space<vmem>>, %arg6: memref<1000x128xf32, #tpu.memory_space<vmem>>) attributes {dimension_semantics = [#tpu.dimension_semantics<arbitrary>], iteration_bounds = array<i64: 10>, scalar_prefetch = 0 : i64, scratch_operands = 0 : i64, tpu.core_type = #tpu.core_type<tc>, window_params = [{transform_indices = @transform_0, window_bounds = array<i64: 1000, 128>}, {transform_indices = @transform_1, window_bounds = array<i64: 2, 1000, 128>}, {transform_indices = @transform_2, window_bounds = array<i64: 2, 1000, 16>}, {pipeline_mode = #tpu.pipeline_mode<synchronous>, transform_indices = @transform_3, window_bounds = array<i64: 128, 128>}, {pipeline_mode = #tpu.pipeline_mode<synchronous>, transform_indices = @transform_4, window_bounds = array<i64: 128>}, {transform_indices = @transform_5, window_bounds = array<i64: 1000, 128>}]} {
    %get3A = arith.constant 0 : index
    %get3A_0 = arith.constant 0 : index
    %get3A_1 = arith.constant 0 : index
    %get3A_2 = vector.load %arg2[%get3A, %get3A_0, %get3A_1] : memref<2x1000x128xf32, #tpu.memory_space<vmem>>, vector<1x1000x128xf32>
    %get3A_3 = vector.shape_cast %get3A_2 : vector<1x1000x128xf32> to vector<1000x128xf32>
    %get3A_4 = arith.constant 1 : index
    %get3A_5 = arith.constant 0 : index
    %get3A_6 = arith.constant 0 : index
    %get3A_7 = vector.load %arg2[%get3A_4, %get3A_5, %get3A_6] : memref<2x1000x128xf32, #tpu.memory_space<vmem>>, vector<1x1000x128xf32>
    %get3A_8 = vector.shape_cast %get3A_7 : vector<1x1000x128xf32> to vector<1000x128xf32>
    %add3A = arith.addf %get3A_3, %get3A_8 : vector<1000x128xf32>
    %get3A_9 = arith.constant 0 : index
    %get3A_10 = arith.constant 0 : index
    %get3A_11 = arith.constant 0 : index
    %get3A_12 = vector.load %arg3[%get3A_9, %get3A_10, %get3A_11] : memref<2x1000x16xf32, #tpu.memory_space<vmem>>, vector<1x1000x1xf32>
    %get3A_13 = vector.shape_cast %get3A_12 : vector<1x1000x1xf32> to vector<1000x1xf32>
    %get3A_14 = arith.constant 1 : index
    %get3A_15 = arith.constant 0 : index
    %get3A_16 = arith.constant 0 : index
    %get3A_17 = vector.load %arg3[%get3A_14, %get3A_15, %get3A_16] : memref<2x1000x16xf32, #tpu.memory_space<vmem>>, vector<1x1000x1xf32>
    %get3A_18 = vector.shape_cast %get3A_17 : vector<1x1000x1xf32> to vector<1000x1xf32>
    %add3A_19 = arith.addf %get3A_13, %get3A_18 : vector<1000x1xf32>
    %get3A_20 = arith.constant 0 : index
    %get3A_21 = arith.constant 0 : index
    %get3A_22 = vector.load %arg1[%get3A_20, %get3A_21] : memref<1000x128xf32, #tpu.memory_space<vmem>>, vector<1000x128xf32>
    %add3A_23 = arith.addf %get3A_22, %add3A : vector<1000x128xf32>
    %add3A_24 = arith.constant 1.000000e+00 : f32
    %add3A_25 = vector.broadcast %add3A_24 : f32 to vector<1000x1xf32>
    %add3A_26 = arith.addf %add3A_19, %add3A_25 : vector<1000x1xf32>
    %div3A = arith.constant 1.000000e+00 : f32
    %div3A_27 = vector.broadcast %div3A : f32 to vector<1000x1xf32>
    %div3A_28 = arith.divf %div3A_27, %add3A_26 : vector<1000x1xf32>
    %mul3A = vector.broadcast %div3A_28 : vector<1000x1xf32> to vector<1000x128xf32>
    %mul3A_29 = arith.mulf %add3A_23, %mul3A : vector<1000x128xf32>
    %get3A_30 = arith.constant 0 : index
    %get3A_31 = arith.constant 0 : index
    %get3A_32 = vector.load %arg4[%get3A_30, %get3A_31] : memref<128x128xf32, #tpu.memory_space<vmem>>, vector<128x128xf32>
    %get3A_33 = arith.constant 0 : index
    %get3A_34 = vector.load %arg5[%get3A_33] : memref<128xf32, #tpu.memory_space<vmem>>, vector<128xf32>
    %dot_general3A = arith.constant dense<0.000000e+00> : vector<1000x128xf32>
    %dot_general3A_35 = tpu.matmul %mul3A_29, %get3A_32, %dot_general3A {dimension_numbers = #tpu.dot_dimension_numbers<[1], [0], [0], [1], [0, 0, 1, 1], [], []>, transpose_lhs_hint = false} : vector<1000x128xf32>, vector<128x128xf32>, vector<1000x128xf32> -> vector<1000x128xf32>
    %broadcast_in_dim3A = vector.shape_cast %get3A_34 : vector<128xf32> to vector<1x128xf32>
    %add3A_36 = vector.broadcast %broadcast_in_dim3A : vector<1x128xf32> to vector<1000x128xf32>
    %add3A_37 = arith.addf %dot_general3A_35, %add3A_36 : vector<1000x128xf32>
    %swap3A = arith.constant 0 : index
    %swap3A_38 = arith.constant 0 : index
    %swap3A_39 = vector.load %arg6[%swap3A, %swap3A_38] : memref<1000x128xf32, #tpu.memory_space<vmem>>, vector<1000x128xf32>
    tpu.vector_store %arg6[%swap3A, %swap3A_38], %add3A_37 {strides = array<i32>} : memref<1000x128xf32, #tpu.memory_space<vmem>>, vector<1000x128xf32>,
    return
  }
  func.func @transform_0(%arg0: i32) -> (i32, i32) {
    %c0_i32 = arith.constant 0 : i32
    %c0_i32_0 = arith.constant 0 : i32
    return %arg0, %c0_i32 : i32, i32
  }
  func.func @transform_1(%arg0: i32) -> (i32, i32, i32) {
    %c0_i32 = arith.constant 0 : i32
    %c0_i32_0 = arith.constant 0 : i32
    %c0_i32_1 = arith.constant 0 : i32
    return %c0_i32, %arg0, %c0_i32_0 : i32, i32, i32
  }
  func.func @transform_2(%arg0: i32) -> (i32, i32, i32) {
    %c0_i32 = arith.constant 0 : i32
    %c0_i32_0 = arith.constant 0 : i32
    %c0_i32_1 = arith.constant 0 : i32
    return %c0_i32, %arg0, %c0_i32_0 : i32, i32, i32
  }
  func.func @transform_3(%arg0: i32) -> (i32, i32) {
    %c0_i32 = arith.constant 0 : i32
    %c0_i32_0 = arith.constant 0 : i32
    %c0_i32_1 = arith.constant 0 : i32
    return %c0_i32, %c0_i32_0 : i32, i32
  }
  func.func @transform_4(%arg0: i32) -> i32 {
    %c0_i32 = arith.constant 0 : i32
    %c0_i32_0 = arith.constant 0 : i32
    return %c0_i32 : i32
  }
  func.func @transform_5(%arg0: i32) -> (i32, i32) {
    %c0_i32 = arith.constant 0 : i32
    %c0_i32_0 = arith.constant 0 : i32
    return %arg0, %c0_i32 : i32, i32
  }
}

module attributes {stable_mosaic.version = 14 : i64} {
  func.func @_post_body(%arg0: i32, %arg1: memref<1000x128xf32, #tpu.memory_space<vmem>>, %arg2: memref<2x1000x128xf32, #tpu.memory_space<vmem>>, %arg3: memref<2x1000x16xf32, #tpu.memory_space<vmem>>, %arg4: memref<128x128xf32, #tpu.memory_space<vmem>>, %arg5: memref<128xf32, #tpu.memory_space<vmem>>, %arg6: memref<128x128xf32, #tpu.memory_space<vmem>>, %arg7: memref<128xf32, #tpu.memory_space<vmem>>, %arg8: memref<128x128xf32, #tpu.memory_space<vmem>>, %arg9: memref<128xf32, #tpu.memory_space<vmem>>, %arg10: memref<128x128xf32, #tpu.memory_space<vmem>>, %arg11: memref<128xf32, #tpu.memory_space<vmem>>, %arg12: memref<128x128xf32, #tpu.memory_space<vmem>>, %arg13: memref<128xf32, #tpu.memory_space<vmem>>, %arg14: memref<1000x128xf32, #tpu.memory_space<vmem>>) attributes {dimension_semantics = [#tpu.dimension_semantics<arbitrary>], iteration_bounds = array<i64: 10>, scalar_prefetch = 0 : i64, scratch_operands = 0 : i64, tpu.core_type = #tpu.core_type<tc>, window_params = [{transform_indices = @transform_0, window_bounds = array<i64: 1000, 128>}, {transform_indices = @transform_1, window_bounds = array<i64: 2, 1000, 128>}, {transform_indices = @transform_2, window_bounds = array<i64: 2, 1000, 16>}, {pipeline_mode = #tpu.pipeline_mode<synchronous>, transform_indices = @transform_3, window_bounds = array<i64: 128, 128>}, {pipeline_mode = #tpu.pipeline_mode<synchronous>, transform_indices = @transform_4, window_bounds = array<i64: 128>}, {pipeline_mode = #tpu.pipeline_mode<synchronous>, transform_indices = @transform_5, window_bounds = array<i64: 128, 128>}, {pipeline_mode = #tpu.pipeline_mode<synchronous>, transform_indices = @transform_6, window_bounds = array<i64: 128>}, {pipeline_mode = #tpu.pipeline_mode<synchronous>, transform_indices = @transform_7, window_bounds = array<i64: 128, 128>}, {pipeline_mode = #tpu.pipeline_mode<synchronous>, transform_indices = @transform_8, window_bounds = array<i64: 128>}, {pipeline_mode = #tpu.pipeline_mode<synchronous>, transform_indices = @transform_9, window_bounds = array<i64: 128, 128>}, {pipeline_mode = #tpu.pipeline_mode<synchronous>, transform_indices = @transform_10, window_bounds = array<i64: 128>}, {pipeline_mode = #tpu.pipeline_mode<synchronous>, transform_indices = @transform_11, window_bounds = array<i64: 128, 128>}, {pipeline_mode = #tpu.pipeline_mode<synchronous>, transform_indices = @transform_12, window_bounds = array<i64: 128>}, {transform_indices = @transform_13, window_bounds = array<i64: 1000, 128>}]} {
    %get3A = arith.constant 0 : index
    %get3A_0 = arith.constant 0 : index
    %get3A_1 = arith.constant 0 : index
    %get3A_2 = vector.load %arg2[%get3A, %get3A_0, %get3A_1] : memref<2x1000x128xf32, #tpu.memory_space<vmem>>, vector<1x1000x128xf32>
    %get3A_3 = vector.shape_cast %get3A_2 : vector<1x1000x128xf32> to vector<1000x128xf32>
    %get3A_4 = arith.constant 1 : index
    %get3A_5 = arith.constant 0 : index
    %get3A_6 = arith.constant 0 : index
    %get3A_7 = vector.load %arg2[%get3A_4, %get3A_5, %get3A_6] : memref<2x1000x128xf32, #tpu.memory_space<vmem>>, vector<1x1000x128xf32>
    %get3A_8 = vector.shape_cast %get3A_7 : vector<1x1000x128xf32> to vector<1000x128xf32>
    %add3A = arith.addf %get3A_3, %get3A_8 : vector<1000x128xf32>
    %get3A_9 = arith.constant 0 : index
    %get3A_10 = arith.constant 0 : index
    %get3A_11 = arith.constant 0 : index
    %get3A_12 = vector.load %arg3[%get3A_9, %get3A_10, %get3A_11] : memref<2x1000x16xf32, #tpu.memory_space<vmem>>, vector<1x1000x1xf32>
    %get3A_13 = vector.shape_cast %get3A_12 : vector<1x1000x1xf32> to vector<1000x1xf32>
    %get3A_14 = arith.constant 1 : index
    %get3A_15 = arith.constant 0 : index
    %get3A_16 = arith.constant 0 : index
    %get3A_17 = vector.load %arg3[%get3A_14, %get3A_15, %get3A_16] : memref<2x1000x16xf32, #tpu.memory_space<vmem>>, vector<1x1000x1xf32>
    %get3A_18 = vector.shape_cast %get3A_17 : vector<1x1000x1xf32> to vector<1000x1xf32>
    %add3A_19 = arith.addf %get3A_13, %get3A_18 : vector<1000x1xf32>
    %get3A_20 = arith.constant 0 : index
    %get3A_21 = arith.constant 0 : index
    %get3A_22 = vector.load %arg1[%get3A_20, %get3A_21] : memref<1000x128xf32, #tpu.memory_space<vmem>>, vector<1000x128xf32>
    %add3A_23 = arith.addf %get3A_22, %add3A : vector<1000x128xf32>
    %add3A_24 = arith.constant 1.000000e+00 : f32
    %add3A_25 = vector.broadcast %add3A_24 : f32 to vector<1000x1xf32>
    %add3A_26 = arith.addf %add3A_19, %add3A_25 : vector<1000x1xf32>
    %div3A = arith.constant 1.000000e+00 : f32
    %div3A_27 = vector.broadcast %div3A : f32 to vector<1000x1xf32>
    %div3A_28 = arith.divf %div3A_27, %add3A_26 : vector<1000x1xf32>
    %mul3A = vector.broadcast %div3A_28 : vector<1000x1xf32> to vector<1000x128xf32>
    %mul3A_29 = arith.mulf %add3A_23, %mul3A : vector<1000x128xf32>
    %get3A_30 = arith.constant 0 : index
    %get3A_31 = arith.constant 0 : index
    %get3A_32 = vector.load %arg4[%get3A_30, %get3A_31] : memref<128x128xf32, #tpu.memory_space<vmem>>, vector<128x128xf32>
    %get3A_33 = arith.constant 0 : index
    %get3A_34 = vector.load %arg5[%get3A_33] : memref<128xf32, #tpu.memory_space<vmem>>, vector<128xf32>
    %dot_general3A = arith.constant dense<0.000000e+00> : vector<1000x128xf32>
    %dot_general3A_35 = tpu.matmul %mul3A_29, %get3A_32, %dot_general3A {dimension_numbers = #tpu.dot_dimension_numbers<[1], [0], [0], [1], [0, 0, 1, 1], [], []>, transpose_lhs_hint = false} : vector<1000x128xf32>, vector<128x128xf32>, vector<1000x128xf32> -> vector<1000x128xf32>
    %broadcast_in_dim3A = vector.shape_cast %get3A_34 : vector<128xf32> to vector<1x128xf32>
    %add3A_36 = vector.broadcast %broadcast_in_dim3A : vector<1x128xf32> to vector<1000x128xf32>
    %add3A_37 = arith.addf %dot_general3A_35, %add3A_36 : vector<1000x128xf32>
    %ge3A = arith.constant 0.000000e+00 : f32
    %ge3A_38 = vector.broadcast %ge3A : f32 to vector<1000x128xf32>
    %ge3A_39 = arith.cmpf oge, %add3A_37, %ge3A_38 : vector<1000x128xf32>
    %mul3A_40 = arith.constant 0.00999999977 : f32
    %mul3A_41 = vector.broadcast %mul3A_40 : f32 to vector<1000x128xf32>
    %mul3A_42 = arith.mulf %mul3A_41, %add3A_37 : vector<1000x128xf32>
    %select_n3A = arith.select %ge3A_39, %add3A_37, %mul3A_42 : vector<1000x128xi1>, vector<1000x128xf32>
    %get3A_43 = arith.constant 0 : index
    %get3A_44 = arith.constant 0 : index
    %get3A_45 = vector.load %arg6[%get3A_43, %get3A_44] : memref<128x128xf32, #tpu.memory_space<vmem>>, vector<128x128xf32>
    %get3A_46 = arith.constant 0 : index
    %get3A_47 = vector.load %arg7[%get3A_46] : memref<128xf32, #tpu.memory_space<vmem>>, vector<128xf32>
    %dot_general3A_48 = arith.constant dense<0.000000e+00> : vector<1000x128xf32>
    %dot_general3A_49 = tpu.matmul %select_n3A, %get3A_45, %dot_general3A_48 {dimension_numbers = #tpu.dot_dimension_numbers<[1], [0], [0], [1], [0, 0, 1, 1], [], []>, transpose_lhs_hint = false} : vector<1000x128xf32>, vector<128x128xf32>, vector<1000x128xf32> -> vector<1000x128xf32>
    %broadcast_in_dim3A_50 = vector.shape_cast %get3A_47 : vector<128xf32> to vector<1x128xf32>
    %add3A_51 = vector.broadcast %broadcast_in_dim3A_50 : vector<1x128xf32> to vector<1000x128xf32>
    %add3A_52 = arith.addf %dot_general3A_49, %add3A_51 : vector<1000x128xf32>
    %ge3A_53 = arith.constant 0.000000e+00 : f32
    %ge3A_54 = vector.broadcast %ge3A_53 : f32 to vector<1000x128xf32>
    %ge3A_55 = arith.cmpf oge, %add3A_52, %ge3A_54 : vector<1000x128xf32>
    %mul3A_56 = arith.constant 0.00999999977 : f32
    %mul3A_57 = vector.broadcast %mul3A_56 : f32 to vector<1000x128xf32>
    %mul3A_58 = arith.mulf %mul3A_57, %add3A_52 : vector<1000x128xf32>
    %select_n3A_59 = arith.select %ge3A_55, %add3A_52, %mul3A_58 : vector<1000x128xi1>, vector<1000x128xf32>
    %get3A_60 = arith.constant 0 : index
    %get3A_61 = arith.constant 0 : index
    %get3A_62 = vector.load %arg8[%get3A_60, %get3A_61] : memref<128x128xf32, #tpu.memory_space<vmem>>, vector<128x128xf32>
    %get3A_63 = arith.constant 0 : index
    %get3A_64 = vector.load %arg9[%get3A_63] : memref<128xf32, #tpu.memory_space<vmem>>, vector<128xf32>
    %dot_general3A_65 = arith.constant dense<0.000000e+00> : vector<1000x128xf32>
    %dot_general3A_66 = tpu.matmul %mul3A_29, %get3A_62, %dot_general3A_65 {dimension_numbers = #tpu.dot_dimension_numbers<[1], [0], [0], [1], [0, 0, 1, 1], [], []>, transpose_lhs_hint = false} : vector<1000x128xf32>, vector<128x128xf32>, vector<1000x128xf32> -> vector<1000x128xf32>
    %broadcast_in_dim3A_67 = vector.shape_cast %get3A_64 : vector<128xf32> to vector<1x128xf32>
    %add3A_68 = vector.broadcast %broadcast_in_dim3A_67 : vector<1x128xf32> to vector<1000x128xf32>
    %add3A_69 = arith.addf %dot_general3A_66, %add3A_68 : vector<1000x128xf32>
    %ge3A_70 = arith.constant 0.000000e+00 : f32
    %ge3A_71 = vector.broadcast %ge3A_70 : f32 to vector<1000x128xf32>
    %ge3A_72 = arith.cmpf oge, %add3A_69, %ge3A_71 : vector<1000x128xf32>
    %mul3A_73 = arith.constant 0.00999999977 : f32
    %mul3A_74 = vector.broadcast %mul3A_73 : f32 to vector<1000x128xf32>
    %mul3A_75 = arith.mulf %mul3A_74, %add3A_69 : vector<1000x128xf32>
    %select_n3A_76 = arith.select %ge3A_72, %add3A_69, %mul3A_75 : vector<1000x128xi1>, vector<1000x128xf32>
    %get3A_77 = arith.constant 0 : index
    %get3A_78 = arith.constant 0 : index
    %get3A_79 = vector.load %arg10[%get3A_77, %get3A_78] : memref<128x128xf32, #tpu.memory_space<vmem>>, vector<128x128xf32>
    %get3A_80 = arith.constant 0 : index
    %get3A_81 = vector.load %arg11[%get3A_80] : memref<128xf32, #tpu.memory_space<vmem>>, vector<128xf32>
    %dot_general3A_82 = arith.constant dense<0.000000e+00> : vector<1000x128xf32>
    %dot_general3A_83 = tpu.matmul %select_n3A_76, %get3A_79, %dot_general3A_82 {dimension_numbers = #tpu.dot_dimension_numbers<[1], [0], [0], [1], [0, 0, 1, 1], [], []>, transpose_lhs_hint = false} : vector<1000x128xf32>, vector<128x128xf32>, vector<1000x128xf32> -> vector<1000x128xf32>
    %broadcast_in_dim3A_84 = vector.shape_cast %get3A_81 : vector<128xf32> to vector<1x128xf32>
    %add3A_85 = vector.broadcast %broadcast_in_dim3A_84 : vector<1x128xf32> to vector<1000x128xf32>
    %add3A_86 = arith.addf %dot_general3A_83, %add3A_85 : vector<1000x128xf32>
    %logistic3A = arith.negf %add3A_86 : vector<1000x128xf32>
    %logistic3A_87 = math.exp %logistic3A : vector<1000x128xf32>
    %logistic3A_88 = arith.constant 1.000000e+00 : f32
    %logistic3A_89 = vector.broadcast %logistic3A_88 : f32 to vector<1000x128xf32>
    %logistic3A_90 = arith.addf %logistic3A_89, %logistic3A_87 : vector<1000x128xf32>
    %logistic3A_91 = arith.divf %logistic3A_89, %logistic3A_90 : vector<1000x128xf32>
    %mul3A_92 = arith.mulf %select_n3A_59, %logistic3A_91 : vector<1000x128xf32>
    %get3A_93 = arith.constant 0 : index
    %get3A_94 = arith.constant 0 : index
    %get3A_95 = vector.load %arg12[%get3A_93, %get3A_94] : memref<128x128xf32, #tpu.memory_space<vmem>>, vector<128x128xf32>
    %get3A_96 = arith.constant 0 : index
    %get3A_97 = vector.load %arg13[%get3A_96] : memref<128xf32, #tpu.memory_space<vmem>>, vector<128xf32>
    %dot_general3A_98 = arith.constant dense<0.000000e+00> : vector<1000x128xf32>
    %dot_general3A_99 = tpu.matmul %mul3A_92, %get3A_95, %dot_general3A_98 {dimension_numbers = #tpu.dot_dimension_numbers<[1], [0], [0], [1], [0, 0, 1, 1], [], []>, transpose_lhs_hint = false} : vector<1000x128xf32>, vector<128x128xf32>, vector<1000x128xf32> -> vector<1000x128xf32>
    %broadcast_in_dim3A_100 = vector.shape_cast %get3A_97 : vector<128xf32> to vector<1x128xf32>
    %add3A_101 = vector.broadcast %broadcast_in_dim3A_100 : vector<1x128xf32> to vector<1000x128xf32>
    %add3A_102 = arith.addf %dot_general3A_99, %add3A_101 : vector<1000x128xf32>
    %swap3A = arith.constant 0 : index
    %swap3A_103 = arith.constant 0 : index
    %swap3A_104 = vector.load %arg14[%swap3A, %swap3A_103] : memref<1000x128xf32, #tpu.memory_space<vmem>>, vector<1000x128xf32>
    tpu.vector_store %arg14[%swap3A, %swap3A_103], %add3A_102 {strides = array<i32>} : memref<1000x128xf32, #tpu.memory_space<vmem>>, vector<1000x128xf32>,
    return
  }
  func.func @transform_0(%arg0: i32) -> (i32, i32) {
    %c0_i32 = arith.constant 0 : i32
    %c0_i32_0 = arith.constant 0 : i32
    return %arg0, %c0_i32 : i32, i32
  }
  func.func @transform_1(%arg0: i32) -> (i32, i32, i32) {
    %c0_i32 = arith.constant 0 : i32
    %c0_i32_0 = arith.constant 0 : i32
    %c0_i32_1 = arith.constant 0 : i32
    return %c0_i32, %arg0, %c0_i32_0 : i32, i32, i32
  }
  func.func @transform_2(%arg0: i32) -> (i32, i32, i32) {
    %c0_i32 = arith.constant 0 : i32
    %c0_i32_0 = arith.constant 0 : i32
    %c0_i32_1 = arith.constant 0 : i32
    return %c0_i32, %arg0, %c0_i32_0 : i32, i32, i32
  }
  func.func @transform_3(%arg0: i32) -> (i32, i32) {
    %c0_i32 = arith.constant 0 : i32
    %c0_i32_0 = arith.constant 0 : i32
    %c0_i32_1 = arith.constant 0 : i32
    return %c0_i32, %c0_i32_0 : i32, i32
  }
  func.func @transform_4(%arg0: i32) -> i32 {
    %c0_i32 = arith.constant 0 : i32
    %c0_i32_0 = arith.constant 0 : i32
    return %c0_i32 : i32
  }
  func.func @transform_5(%arg0: i32) -> (i32, i32) {
    %c0_i32 = arith.constant 0 : i32
    %c0_i32_0 = arith.constant 0 : i32
    %c0_i32_1 = arith.constant 0 : i32
    return %c0_i32, %c0_i32_0 : i32, i32
  }
  func.func @transform_6(%arg0: i32) -> i32 {
    %c0_i32 = arith.constant 0 : i32
    %c0_i32_0 = arith.constant 0 : i32
    return %c0_i32 : i32
  }
  func.func @transform_7(%arg0: i32) -> (i32, i32) {
    %c0_i32 = arith.constant 0 : i32
    %c0_i32_0 = arith.constant 0 : i32
    %c0_i32_1 = arith.constant 0 : i32
    return %c0_i32, %c0_i32_0 : i32, i32
  }
  func.func @transform_8(%arg0: i32) -> i32 {
    %c0_i32 = arith.constant 0 : i32
    %c0_i32_0 = arith.constant 0 : i32
    return %c0_i32 : i32
  }
  func.func @transform_9(%arg0: i32) -> (i32, i32) {
    %c0_i32 = arith.constant 0 : i32
    %c0_i32_0 = arith.constant 0 : i32
    %c0_i32_1 = arith.constant 0 : i32
    return %c0_i32, %c0_i32_0 : i32, i32
  }
  func.func @transform_10(%arg0: i32) -> i32 {
    %c0_i32 = arith.constant 0 : i32
    %c0_i32_0 = arith.constant 0 : i32
    return %c0_i32 : i32
  }
  func.func @transform_11(%arg0: i32) -> (i32, i32) {
    %c0_i32 = arith.constant 0 : i32
    %c0_i32_0 = arith.constant 0 : i32
    %c0_i32_1 = arith.constant 0 : i32
    return %c0_i32, %c0_i32_0 : i32, i32
  }
  func.func @transform_12(%arg0: i32) -> i32 {
    %c0_i32 = arith.constant 0 : i32
    %c0_i32_0 = arith.constant 0 : i32
    return %c0_i32 : i32
  }
  func.func @transform_13(%arg0: i32) -> (i32, i32) {
    %c0_i32 = arith.constant 0 : i32
    %c0_i32_0 = arith.constant 0 : i32
    return %arg0, %c0_i32 : i32, i32
  }
}

</mosaic_0001>

<sc_bundles>
// kernel: kernel.10.cloned.1.call-start
scs
__scs_entry_jumppad:
0x0: {  	(pc) =	sbr.rel $0x88, $3  }
0x1: {  	(tag) =	ssettag $0x0;
	lr =	simm.s32 $0x1  }
0x2: {  	[smem:$0x3F8D] =	sst lr;
	_ =	strace $0xD0000000  }
0x3: {  	_ = 	snop  }
0x4: {  	_ = 	snop  }
0x5: {  	_ = 	snop  }
0x6: {  	_ = 	snop  }
0x7: {  	_ = 	snop  }
__scs_overlays_trampoline_lowered:
0x8: {  	[smem:$0x3F9C] =	sst s0  }
0x9: {  	[smem:$0x3F9D] =	sst s1  }
0xa: {  	[smem:$0x3F9E] =	sst s2  }
0xb: {  	[smem:$0x3F9F] =	sst s3  }
0xc: {  	[smem:$0x3FA0] =	sst s4  }
0xd: {  	[smem:$0x3FA1] =	sst s5  }
0xe: {  	[smem:$0x3FA2] =	sst s6  }
0xf: {  	[smem:$0x3FA3] =	sst s7  }
0x10: {  	[smem:$0x3FA4] =	sst s8  }
0x11: {  	[smem:$0x3FA5] =	sst s9;
	s0 =	simm.s32 @!p0 $0x0  }
0x12: {  	s1 =	sld [smem:$0x3F8B];
	s0 =	simm.s32 @p0 $0x1  }
0x13: {  	[smem:$0x3FA6] =	sst s0;
	s0 =	simm.s32 @!p1 $0x0  }
0x14: {  	s2 =	sld [smem:$0x3F8A];
	s0 =	simm.s32 @p1 $0x1  }
0x15: {  	[smem:$0x3FA7] =	sst s0;
	s0 =	simm.s32 @!p2 $0x0  }
0x16: {  	s3 =	sld [smem:$0x3FDB];
	s0 =	simm.s32 @p2 $0x1  }
0x17: {  	s4 =	simm.s32 $0x1BF5;
	[smem:$0x3FA9] =	sst s0  }
0x18: {  	s0 =	sld [smem:$0x3F8C];
	_ =	swait.ge [sflag:s4], $0x0  }
0x19: {  	s7 =	sld [smem:$0x3F8D]  }
0x1a: {  	s8 =	sadd.s32 $0xFFFFE003, lr  }
0x1b: {  	s9 =	sadd.s32 $0xFFFFFEF7, lr;
	s5 =	simm.s32 $0xFFFFFFFF;
	p2 =	slt.u32 s8, $0xFFFFF086  }
0x1c: {  	p1 =	slt.u32 s9, $0xF7A;
	s5 =	simm.s32 @!p2 $0x0  }
0x1d: {  	s5 =	simm.s32 @p1 $0x1;
	p0 =	seq.s32 s7, s2  }
0x1e: {  	s7 =	smul.u32 @!p0 $0xF7A, s2;
	p2 =	seq.s32 @!p0 s5, $0x0  }
0x1f: {  	s9 =	smul.u32 $0xF7A, s1;
	s8 =	simm.s32 @!p0 $0x1BF5;
	p2 =	por !p2, p0  }
0x20: {  	[sflag:s8] =	ssyncset.s32 @!p0 $0xFFFFF086;
	s6 =	sadd.s32 @!p0 s3, s7;
	s7 =	simm.s32 @!p0 $0x108  }
0x21: {  	s3 =	sadd.s32 s3, s9;
	s6 =	sadd.s32 @!p0 $0x88, s6;
	s7 =	simm.s32 @p2 $0x1082  }
0x22: {  	[simem:s7], [sflag:s8] =	dma.local @!p0 [hbm:s6], $0xF7A  }
0x23: {  	s9 =	sor.u32 $0xD0000000, s2;
	s6 =	simm.s32 $0x108;
	_ =	swait.ge @!p0 [sflag:s8], $0x0  }
0x24: {  	s3 =	sadd.s32 $0x88, s3;
	s6 =	simm.s32 @!p1 $0x1082;
	[sflag:s4] =	ssyncset.s32 $0xFFFFF086  }
0x25: {  	[simem:s6], [sflag:s4] =	dma.local [hbm:s3], $0xF7A  }
0x26: {  	[smem:$0x3F8D] =	sst s1;
	(tag) =	ssettag s2;
	_ =	strace s9  }
0x27: {  	s1 =	sld [smem:$0x3F9D]  }
0x28: {  	s2 =	sld [smem:$0x3F9E]  }
0x29: {  	s4 =	sld [smem:$0x3FA0]  }
0x2a: {  	p0 =	seq.s32 s5, $0x0;
	s5 =	sld [smem:$0x3FA1]  }
0x2b: {  	s6 =	sld [smem:$0x3FA2]  }
0x2c: {  	s7 =	sld [smem:$0x3FA3]  }
0x2d: {  	s3 =	simm.s32 $0x108;
	s8 =	sld [smem:$0x3FA4]  }
0x2e: {  	s3 =	simm.s32 @!p0 $0x1082;
	s9 =	sld [smem:$0x3FA5]  }
0x2f: {  	lr =	sadd.s32 s0, s3;
	s0 =	sld [smem:$0x3F9C]  }
0x30: {  	s3 =	sld [smem:$0x3F9F]  }
0x31: {  	[smem:$0x3FA8] =	sst s10  }
0x32: {  	s10 =	sld [smem:$0x3FA6];
	_ =	sdelay $0x3  }
0x33: {  	p0 =	seq.s32 s10, $0x1;
	s10 =	sld [smem:$0x3FA8];
	_ =	sdelay $0x3  }
0x34: {  	[smem:$0x3FA8] =	sst s10  }
0x35: {  	s10 =	sld [smem:$0x3FA7];
	_ =	sdelay $0x3  }
0x36: {  	p1 =	seq.s32 s10, $0x1;
	s10 =	sld [smem:$0x3FA8];
	_ =	sdelay $0x3  }
0x37: {  	[smem:$0x3FA8] =	sst s10  }
0x38: {  	s10 =	sld [smem:$0x3FA9]  }
0x39: {  	_ = 	snop;
	(pc) =	sbr.ind lr, $3  }
0x3a: {  	_ = 	snop  }
0x3b: {  	_ = 	snop  }
0x3c: {  	p2 =	seq.s32 s10, $0x1;
	s10 =	sld [smem:$0x3FA8]  }
0x3d: {  	_ =	shalt  }
0x3e: {  	_ =	shalt  }
0x3f: {  	_ =	shalt  }
0x40: {  	_ =	shalt  }
0x41: {  	_ =	shalt  }
0x42: {  	_ =	shalt  }
0x43: {  	_ =	shalt  }
0x44: {  	_ =	shalt  }
0x45: {  	_ =	shalt  }
0x46: {  	_ =	shalt  }
0x47: {  	_ =	shalt  }
0x48: {  	_ =	shalt  }
0x49: {  	_ =	shalt  }
0x4a: {  	_ =	shalt  }
0x4b: {  	_ =	shalt  }
0x4c: {  	_ =	shalt  }
0x4d: {  	_ =	shalt  }
0x4e: {  	_ =	shalt  }
0x4f: {  	_ =	shalt  }
0x50: {  	_ =	shalt  }
0x51: {  	_ =	shalt  }
0x52: {  	_ =	shalt  }
0x53: {  	_ =	shalt  }
0x54: {  	_ =	shalt  }
0x55: {  	_ =	shalt  }
0x56: {  	_ =	shalt  }
0x57: {  	_ =	shalt  }
0x58: {  	_ =	shalt  }
0x59: {  	_ =	shalt  }
0x5a: {  	_ =	shalt  }
0x5b: {  	_ =	shalt  }
0x5c: {  	_ =	shalt  }
0x5d: {  	_ =	shalt  }
0x5e: {  	_ =	shalt  }
0x5f: {  	_ =	shalt  }
0x60: {  	_ =	shalt  }
0x61: {  	_ =	shalt  }
0x62: {  	_ =	shalt  }
0x63: {  	_ =	shalt  }
0x64: {  	_ =	shalt  }
0x65: {  	_ =	shalt  }
0x66: {  	_ =	shalt  }
0x67: {  	_ =	shalt  }
0x68: {  	_ =	shalt  }
0x69: {  	_ =	shalt  }
0x6a: {  	_ =	shalt  }
0x6b: {  	_ =	shalt  }
0x6c: {  	_ =	shalt  }
0x6d: {  	_ =	shalt  }
0x6e: {  	_ =	shalt  }
0x6f: {  	_ =	shalt  }
0x70: {  	_ =	shalt  }
0x71: {  	_ =	shalt  }
0x72: {  	_ =	shalt  }
0x73: {  	_ =	shalt  }
0x74: {  	_ =	shalt  }
0x75: {  	_ =	shalt  }
0x76: {  	_ =	shalt  }
0x77: {  	_ =	shalt  }
0x78: {  	_ =	shalt  }
0x79: {  	_ =	shalt  }
0x7a: {  	_ =	shalt  }
0x7b: {  	_ =	shalt  }
0x7c: {  	_ =	shalt  }
0x7d: {  	_ =	shalt  }
0x7e: {  	_ =	shalt  }
0x7f: {  	_ =	shalt  }
0x80: {  	_ =	shalt  }
0x81: {  	_ =	shalt  }
0x82: {  	_ =	shalt  }
0x83: {  	_ =	shalt  }
0x84: {  	_ =	shalt  }
0x85: {  	_ =	shalt  }
0x86: {  	_ =	shalt  }
0x87: {  	_ =	shalt  }
.Lfunc_end0:
.L_simem_size_0:
called_computation_lowered:
.L_overlay_start_0:
0x88: {  	s2 =	sld [smem:$0x3FD9]  }
0x89: {  	s3 =	sld [smem:$0x3FFE];
	_ =	sdelay $0x1  }
0x8a: {  	s1 =	srdreg.scid  }
0x8b: {  	s0 =	sand.u32 $0x1, s1  }
0x8c: {  	s16 =	sshll.u32 s0, $0xA;
	s2 =	sadd.s32 s3, s2  }
0x8d: {  	s2 =	sadd.s32 s2, s16  }
0x8e: {  	[smem:$0x3FB4] =	sst s2  }
0x8f: {  	_ = 	snop  }
0x90: {  	(tm) =	ssettm $0x1  }
0x91: {  	s17 =	sld [smem:$0x3FFB];
	_ =	sdelay $0x3  }
0x92: {  	_ =	strace s17  }
0x93: {  	s2 =	sld [smem:$0x3FFC];
	_ =	sdelay $0x3  }
0x94: {  	_ =	strace s2  }
0x95: {  	s2 =	sld [smem:$0x3FFD];
	_ =	sdelay $0x3  }
0x96: {  	_ =	strace s2  }
0x97: {  	_ =	strace $0x8FFFFFFF  }
0x98: {  	s18 =	sld [smem:$0x3FDB];
	_ =	sdelay $0x1  }
0x99: {  	s19 =	simm.s32 $_scs_section_size  }
0x9a: {  	s4 =	simm.s32 $_size__tile_overlayer_lowered;
	s5 =	simm.s32 $_tile_overlayer_lowered  }
0x9b: {  	s22 =	simm.s32 $0x1BFF;
	s21 =	sshll.u32 s5, $0x1;
	s2 =	sadd.s32 s19, s18  }
0x9c: {  	s6 =	simm.s32 $0x0;
	s20 =	sshll.u32 s4, $0x1;
	s4 =	sadd.s32 s21, s2  }
0x9d: {  	[timem:s6], [sflag:s22] =	dma.local [hbm:s4], s20  }
0x9e: {  	_ =	swait.ge [sflag:s22], s20  }
0x9f: {  	s3 =	ssub.s32 $0x0, s20;
	[sflag:s22] =	ssyncset.done $0x0  }
0xa0: {  	[sflag:s22] =	ssyncadd.s32 s3;
	_ =	sdelay $0x1  }
0xa1: {  	s23 =	simm.s32 $0x1B8B  }
0xa2: {  	_ =	swait.ge [sflag:s23], $0x1  }
0xa3: {  	[sflag:s23] =	ssyncset.done $0x0  }
0xa4: {  	s25 =	simm.s32 $0x1B8E;
	s24 =	sld [smem:$0x3FFE];
	[sflag:s23] =	ssyncadd.s32 $0xFFFFFFFF  }
0xa5: {  	s26 =	simm.s32 $execute0_lowered;
	[smem:$0x3FD2] =	sst s25  }
0xa6: {  	s4 =	sshll.u32 s26, $0x1;
	_ =	strace $0x80000046;
	[dreg:$0x1] =	wrdreg $0xFFFFFFFF  }
0xa7: {  	s28 =	simm.s32 $_size_execute0_lowered;
	s2 =	sadd.s32 s2, s4;
	[dreg:$0x0] =	wrdreg $0x0  }
0xa8: {  	s4 =	sshll.u32 s28, $0x1;
	[dreg:$0x2] =	wrdreg s2  }
0xa9: {  	[dreg:$0x3] =	wrdreg s4  }
0xaa: {  	[dreg:$0x4] =	wrdreg $0xC0  }
0xab: {  	_ =	task [dreg:s6], $0x5FFFF  }
0xac: {  	[dreg:$0x1] =	wrdreg $0xFFFFFFFF  }
0xad: {  	[dreg:$0x0] =	wrdreg $0x60  }
0xae: {  	[dreg:$0x2] =	wrdreg s24  }
0xaf: {  	[dreg:$0x3] =	wrdreg $0x2C100  }
0xb0: {  	[dreg:$0x4] =	wrdreg $0x9  }
0xb1: {  	_ =	task.clear_ibuf [dreg:s6], $0x5FFFF;
	_ =	strace $0x90000046  }
0xb2: {  	s29 =	simm.s32 $0x9;
	_ =	strace $0x80000048  }
0xb3: {  	_ =	swait.ge [sflag:s29], $0x1  }
0xb4: {  	[sflag:s29] =	ssyncadd.s32 $0xFFFFFFFF  }
0xb5: {  	_ =	strace $0x90000048  }
0xb6: {  	_ =	sfence  }
0xb7: {  	s30 =	sld [smem:$0x0];
	_ =	sdelay $0x2  }
0xb8: {  	s31 =	sshll.u32 s1, $0xD;
	s1 =	sshrl.u32 s1, $0x2  }
0xb9: {  	s3 =	sand.u32 $0x4000, s31;
	s1 =	sadd.s32 s1, s30  }
0xba: {  	s0 =	sor.u32 s3, s0;
	s1 =	sshll.u32 s1, $0x11  }
0xbb: {  	s0 =	sor.u32 s1, s0  }
0xbc: {  	s0 =	sadd.s32 $0x8F2B, s0  }
0xbd: {  	[sflag:s0] =	ssyncadd.remote.s32 $0x1  }
0xbe: {  	_ =	sfence.sel $0xFFFF  }
0xbf: {  	[dreg:$0x0] =	wrdreg $0xFFFFFFFF;
	(pc) =	sbr.abs _section_cstart, $3  }
0xc0: {  	[dreg:$0x1] =	wrdreg $0xFFFFFFFF  }
0xc1: {  	_ =	task.clear_ibuf [dreg:s6], $0x2FFFF;
	_ =	strace $0x9FFFFFFF  }
0xc2: {  	(tm) =	ssettm $0x7FFFFFFF  }
0xc3: {  	_ =	shalt  }
tec
execute0_lowered:
.L_overlay_start_1:
0x0: {  	(tag) =	ssettag $0x1  }
0x1: {  	s1 =	srdreg.scid;
	s6 =	rddreg [dreg:$0x0]  }
0x2: {  	s0 =	stileid.u32;
	s2 =	rddreg [dreg:$0x1]  }
0x3: {  	s3 =	simm.s32 $0x0;
	s12 =	simm.s32 $0x2710;
	s13 =	simm.s32 $0x50  }
0x4: {  	s14 =	simm.s32 $0x0;
	s5 =	sand.u32 $0x1, s1;
	s29 =	sshll.u32 s0, $0x1  }
0x5: {  	s7 =	smul.u32 $0x2710, s0;
	[smem:$0x7FF] =	sst s3;
	s31 =	sshll.u32 s0, $0x6  }
0x6: {  	s1 =	sor.u32 s5, s29;
	s8 =	smul.u32 $0x27100, s5;
	s10 =	ssub.s32 $0x2, s5  }
0x7: {  	s5 =	sadd.s32 $0x17C00, s6;
	s4 =	smul.u32 $0x4E2, s1;
	s1 =	rddreg [dreg:$0x2]  }
0x8: {  	_ =	strace $0x80000047;
	s30 =	sshrl.u32 s10, $0x1;
	s8 =	sadd.s32 s7, s8  }
0x9: {  	s11 =	sadd.s32 s7, s2;
	s10 =	ssub.s32 s10, s30;
	s8 =	sshrl.u32 s8, $0x3  }
0xa: {  	s9 =	sadd.s32 s4, s6;
	s4 =	sadd.s32 $0x18200, s6;
	s8 =	sadd.s32 s8, s6  }
0xb: {  	s6 =	sor.u32 $0x1C01, s31;
	s7 =	sadd.s32 $0x4000, s9;
	s9 =	smax.u32 s10, $0x1  }
0xc: {  	s10 =	sshrl.u32 s11, $0x3;
	s11 =	simm.s32 $0x1;
	s8 =	sadd.s32 $0x18400, s8  }
.LBB2_1:
0xd: {  	[spmem:s10], [sflag:s6] =	dma.local [hbm:s5], $0x4E2  }
0xe: {  	_ =	swait.ge [sflag:s11], $0x4E2  }
0xf: {  	[sflag:s11] =	ssyncset.done $0x0  }
0x10: {  	[sflag:s11] =	ssyncadd.s32 $0xFFFFFB1E  }
0x11: {  	[tilespmem:s12], [sflag:$0x1] =	stream.linear.gather [hbm4b:s4+s3], $0x500, $0x38;
	[tilespmem:$0x5320] =	vst v63  }
0x12: {  	_ =	swait.ge [sflag:s11], $0x500  }
0x13: {  	[sflag:s11] =	ssyncset.done $0x0  }
0x14: {  	[sflag:s11] =	ssyncadd.s32 $0xFFFFFB00  }
0x15: {  	[tilespmem:s3], [sflag:$0x1] =	stream.linear.gather [hbm4b:s7+s3], $0x2710, $0x38;
	[tilespmem:$0x5320] =	vst v63  }
0x16: {  	_ =	swait.ge [sflag:s11], $0x2710  }
0x17: {  	[sflag:s11] =	ssyncset.done $0x0  }
0x18: {  	[sflag:s11] =	ssyncadd.s32 $0xFFFFD8F0  }
0x19: {  	s15 =	simm.s32 $0x0;
	[bflag:$0x0] =	sbarrier.arrive $0xFFFF  }
0x1a: {  	[spmem:s2] =	stream.indirect.scatter.add.f32 [tilespmem:s12], [sflag:$0x1], $0x10, s15, s13, $0xb8;
	[tilespmem:$0x5320] =	vst v63  }
0x1b: {  	_ =	swait.ge [sflag:s11], $0x500  }
0x1c: {  	s15 =	simm.s32 $0x140;
	[sflag:s11] =	ssyncset.done $0x0  }
.LBB2_2:
0x1d: {  	s16 =	sshra.s32 s15, $0x2;
	[sflag:s11] =	ssyncadd.s32 $0xFFFFFB00;
	p0 =	sne.s32 s15, $0x9B00  }
0x1e: {  	[spmem:s2] =	stream.indirect.scatter.add.f32 [tilespmem:s12], [sflag:$0x1], $0x10, s16, s13, $0xb8;
	[tilespmem:$0x5320] =	vst v63  }
.Ltmp0:
0x1f: {  	_ = 	snop;
	(pc) =	sbr.rel @p0 .LBB2_2-.Ltmp0, $4  }
0x20: {  	_ = 	snop  }
0x21: {  	s15 =	sadd.s32 $0x140, s15  }
0x22: {  	_ =	swait.ge [sflag:s11], $0x500  }
0x23: {  	[sflag:s11] =	ssyncset.done $0x0  }
0x24: {  	s14 =	sadd.s32 $0x1, s14  }
0x25: {  	[sflag:s11] =	ssyncadd.s32 $0xFFFFFB00;
	p0 =	sne.s32 s14, s9  }
.Ltmp1:
0x26: {  	[bflag:$0x0] =	sbarrier.arrive $0xFFFF;
	(pc) =	sbr.rel @p0 .LBB2_1-.Ltmp1, $4  }
0x27: {  	[hbm:s8], [sflag:s6] =	dma.local [spmem:s10], $0x4E2  }
0x28: {  	_ =	swait.ge [sflag:s11], $0x4E2  }
0x29: {  	[sflag:s11] =	ssyncset.done $0x0  }
0x2a: {  	[sflag:s11] =	ssyncadd.s32 $0xFFFFFB1E  }
0x2b: {  	_ =	sfence.sel $0x180000  }
0x2c: {  	[bflag:$0x0] =	sbarrier.arrive $0xFFFF  }
0x2d: {  	p0 =	sne.s32 s0, $0x0;
	_ =	strace $0x90000047  }
0x2e: {  	s0 =	sadd.s32 @!p0 $0x100000, s1;
	[bflag:$0x2] =	sbarrier.arrive $0xFFFF  }
0x2f: {  	[sflag:s0] =	ssyncadd.tile.s32 @!p0 $0x1;
	_ =	shalt  }
.Lfunc_end2:
_tile_overlayer_lowered:
.L_overlay_start_2:
0x30: {  	(tag) =	ssettag $0x2  }
0x31: {  	s0 =	rddreg [dreg:$0x0];
	s2 =	stileid.u32  }
0x32: {  	s1 =	rddreg [dreg:$0x1];
	p0 =	sne.s32 s2, $0x0  }
0x33: {  	s3 =	rddreg [dreg:$0x2];
	[bflag:$0x3] =	sbarrier.arrive $0xFFFF;
	s2 =	simm.s32 @!p0 $0x1C01  }
0x34: {  	[timem:s3], [sflag:s2] =	dma.local @!p0 [hbm:s0], s1  }
0x35: {  	s0 =	simm.s32 @!p0 $0x1  }
0x36: {  	_ =	swait.ge @!p0 [sflag:s0], s1  }
0x37: {  	s1 =	ssub.s32 @!p0 $0x0, s1;
	[sflag:s0] =	ssyncset.done @!p0 $0x0  }
0x38: {  	[sflag:s0] =	ssyncadd.s32 @!p0 s1  }
0x39: {  	[bflag:$0x3] =	sbarrier.arrive $0xFFFF  }
0x3a: {  	_ =	shalt  }

// kernel: kernel.13.cloned.1.call-start
scs
__scs_entry_jumppad:
0x0: {  	(pc) =	sbr.rel $0x88, $3  }
0x1: {  	(tag) =	ssettag $0x0;
	lr =	simm.s32 $0x1  }
0x2: {  	[smem:$0x3F8D] =	sst lr;
	_ =	strace $0xD0000000  }
0x3: {  	_ = 	snop  }
0x4: {  	_ = 	snop  }
0x5: {  	_ = 	snop  }
0x6: {  	_ = 	snop  }
0x7: {  	_ = 	snop  }
__scs_overlays_trampoline_lowered:
0x8: {  	[smem:$0x3F9C] =	sst s0  }
0x9: {  	[smem:$0x3F9D] =	sst s1  }
0xa: {  	[smem:$0x3F9E] =	sst s2  }
0xb: {  	[smem:$0x3F9F] =	sst s3  }
0xc: {  	[smem:$0x3FA0] =	sst s4  }
0xd: {  	[smem:$0x3FA1] =	sst s5  }
0xe: {  	[smem:$0x3FA2] =	sst s6  }
0xf: {  	[smem:$0x3FA3] =	sst s7  }
0x10: {  	[smem:$0x3FA4] =	sst s8  }
0x11: {  	[smem:$0x3FA5] =	sst s9;
	s0 =	simm.s32 @!p0 $0x0  }
0x12: {  	s1 =	sld [smem:$0x3F8B];
	s0 =	simm.s32 @p0 $0x1  }
0x13: {  	[smem:$0x3FA6] =	sst s0;
	s0 =	simm.s32 @!p1 $0x0  }
0x14: {  	s2 =	sld [smem:$0x3F8A];
	s0 =	simm.s32 @p1 $0x1  }
0x15: {  	[smem:$0x3FA7] =	sst s0;
	s0 =	simm.s32 @!p2 $0x0  }
0x16: {  	s3 =	sld [smem:$0x3FDB];
	s0 =	simm.s32 @p2 $0x1  }
0x17: {  	s4 =	simm.s32 $0x1BF5;
	[smem:$0x3FA9] =	sst s0  }
0x18: {  	s0 =	sld [smem:$0x3F8C];
	_ =	swait.ge [sflag:s4], $0x0  }
0x19: {  	s7 =	sld [smem:$0x3F8D]  }
0x1a: {  	s8 =	sadd.s32 $0xFFFFE003, lr  }
0x1b: {  	s9 =	sadd.s32 $0xFFFFFEF7, lr;
	s5 =	simm.s32 $0xFFFFFFFF;
	p2 =	slt.u32 s8, $0xFFFFF086  }
0x1c: {  	p1 =	slt.u32 s9, $0xF7A;
	s5 =	simm.s32 @!p2 $0x0  }
0x1d: {  	s5 =	simm.s32 @p1 $0x1;
	p0 =	seq.s32 s7, s2  }
0x1e: {  	s7 =	smul.u32 @!p0 $0xF7A, s2;
	p2 =	seq.s32 @!p0 s5, $0x0  }
0x1f: {  	s9 =	smul.u32 $0xF7A, s1;
	s8 =	simm.s32 @!p0 $0x1BF5;
	p2 =	por !p2, p0  }
0x20: {  	[sflag:s8] =	ssyncset.s32 @!p0 $0xFFFFF086;
	s6 =	sadd.s32 @!p0 s3, s7;
	s7 =	simm.s32 @!p0 $0x108  }
0x21: {  	s3 =	sadd.s32 s3, s9;
	s6 =	sadd.s32 @!p0 $0x88, s6;
	s7 =	simm.s32 @p2 $0x1082  }
0x22: {  	[simem:s7], [sflag:s8] =	dma.local @!p0 [hbm:s6], $0xF7A  }
0x23: {  	s9 =	sor.u32 $0xD0000000, s2;
	s6 =	simm.s32 $0x108;
	_ =	swait.ge @!p0 [sflag:s8], $0x0  }
0x24: {  	s3 =	sadd.s32 $0x88, s3;
	s6 =	simm.s32 @!p1 $0x1082;
	[sflag:s4] =	ssyncset.s32 $0xFFFFF086  }
0x25: {  	[simem:s6], [sflag:s4] =	dma.local [hbm:s3], $0xF7A  }
0x26: {  	[smem:$0x3F8D] =	sst s1;
	(tag) =	ssettag s2;
	_ =	strace s9  }
0x27: {  	s1 =	sld [smem:$0x3F9D]  }
0x28: {  	s2 =	sld [smem:$0x3F9E]  }
0x29: {  	s4 =	sld [smem:$0x3FA0]  }
0x2a: {  	p0 =	seq.s32 s5, $0x0;
	s5 =	sld [smem:$0x3FA1]  }
0x2b: {  	s6 =	sld [smem:$0x3FA2]  }
0x2c: {  	s7 =	sld [smem:$0x3FA3]  }
0x2d: {  	s3 =	simm.s32 $0x108;
	s8 =	sld [smem:$0x3FA4]  }
0x2e: {  	s3 =	simm.s32 @!p0 $0x1082;
	s9 =	sld [smem:$0x3FA5]  }
0x2f: {  	lr =	sadd.s32 s0, s3;
	s0 =	sld [smem:$0x3F9C]  }
0x30: {  	s3 =	sld [smem:$0x3F9F]  }
0x31: {  	[smem:$0x3FA8] =	sst s10  }
0x32: {  	s10 =	sld [smem:$0x3FA6];
	_ =	sdelay $0x3  }
0x33: {  	p0 =	seq.s32 s10, $0x1;
	s10 =	sld [smem:$0x3FA8];
	_ =	sdelay $0x3  }
0x34: {  	[smem:$0x3FA8] =	sst s10  }
0x35: {  	s10 =	sld [smem:$0x3FA7];
	_ =	sdelay $0x3  }
0x36: {  	p1 =	seq.s32 s10, $0x1;
	s10 =	sld [smem:$0x3FA8];
	_ =	sdelay $0x3  }
0x37: {  	[smem:$0x3FA8] =	sst s10  }
0x38: {  	s10 =	sld [smem:$0x3FA9]  }
0x39: {  	_ = 	snop;
	(pc) =	sbr.ind lr, $3  }
0x3a: {  	_ = 	snop  }
0x3b: {  	_ = 	snop  }
0x3c: {  	p2 =	seq.s32 s10, $0x1;
	s10 =	sld [smem:$0x3FA8]  }
0x3d: {  	_ =	shalt  }
0x3e: {  	_ =	shalt  }
0x3f: {  	_ =	shalt  }
0x40: {  	_ =	shalt  }
0x41: {  	_ =	shalt  }
0x42: {  	_ =	shalt  }
0x43: {  	_ =	shalt  }
0x44: {  	_ =	shalt  }
0x45: {  	_ =	shalt  }
0x46: {  	_ =	shalt  }
0x47: {  	_ =	shalt  }
0x48: {  	_ =	shalt  }
0x49: {  	_ =	shalt  }
0x4a: {  	_ =	shalt  }
0x4b: {  	_ =	shalt  }
0x4c: {  	_ =	shalt  }
0x4d: {  	_ =	shalt  }
0x4e: {  	_ =	shalt  }
0x4f: {  	_ =	shalt  }
0x50: {  	_ =	shalt  }
0x51: {  	_ =	shalt  }
0x52: {  	_ =	shalt  }
0x53: {  	_ =	shalt  }
0x54: {  	_ =	shalt  }
0x55: {  	_ =	shalt  }
0x56: {  	_ =	shalt  }
0x57: {  	_ =	shalt  }
0x58: {  	_ =	shalt  }
0x59: {  	_ =	shalt  }
0x5a: {  	_ =	shalt  }
0x5b: {  	_ =	shalt  }
0x5c: {  	_ =	shalt  }
0x5d: {  	_ =	shalt  }
0x5e: {  	_ =	shalt  }
0x5f: {  	_ =	shalt  }
0x60: {  	_ =	shalt  }
0x61: {  	_ =	shalt  }
0x62: {  	_ =	shalt  }
0x63: {  	_ =	shalt  }
0x64: {  	_ =	shalt  }
0x65: {  	_ =	shalt  }
0x66: {  	_ =	shalt  }
0x67: {  	_ =	shalt  }
0x68: {  	_ =	shalt  }
0x69: {  	_ =	shalt  }
0x6a: {  	_ =	shalt  }
0x6b: {  	_ =	shalt  }
0x6c: {  	_ =	shalt  }
0x6d: {  	_ =	shalt  }
0x6e: {  	_ =	shalt  }
0x6f: {  	_ =	shalt  }
0x70: {  	_ =	shalt  }
0x71: {  	_ =	shalt  }
0x72: {  	_ =	shalt  }
0x73: {  	_ =	shalt  }
0x74: {  	_ =	shalt  }
0x75: {  	_ =	shalt  }
0x76: {  	_ =	shalt  }
0x77: {  	_ =	shalt  }
0x78: {  	_ =	shalt  }
0x79: {  	_ =	shalt  }
0x7a: {  	_ =	shalt  }
0x7b: {  	_ =	shalt  }
0x7c: {  	_ =	shalt  }
0x7d: {  	_ =	shalt  }
0x7e: {  	_ =	shalt  }
0x7f: {  	_ =	shalt  }
0x80: {  	_ =	shalt  }
0x81: {  	_ =	shalt  }
0x82: {  	_ =	shalt  }
0x83: {  	_ =	shalt  }
0x84: {  	_ =	shalt  }
0x85: {  	_ =	shalt  }
0x86: {  	_ =	shalt  }
0x87: {  	_ =	shalt  }
.Lfunc_end0:
.L_simem_size_0:
called_computation.1_lowered:
.L_overlay_start_0:
0x88: {  	s2 =	sld [smem:$0x3FD9]  }
0x89: {  	s3 =	sld [smem:$0x3FFE];
	_ =	sdelay $0x1  }
0x8a: {  	s1 =	srdreg.scid  }
0x8b: {  	s0 =	sand.u32 $0x1, s1  }
0x8c: {  	s17 =	sshll.u32 s0, $0xA;
	s2 =	sadd.s32 s3, s2  }
0x8d: {  	s2 =	sadd.s32 s2, s17  }
0x8e: {  	[smem:$0x3FB4] =	sst s2  }
0x8f: {  	_ = 	snop  }
0x90: {  	s18 =	sld [smem:$0x3FD0];
	(tm) =	ssettm $0x1  }
0x91: {  	s19 =	sld [smem:$0x3FFB];
	_ =	sdelay $0x3  }
0x92: {  	_ =	strace s19  }
0x93: {  	s2 =	sld [smem:$0x3FFC];
	_ =	sdelay $0x3  }
0x94: {  	_ =	strace s2  }
0x95: {  	s2 =	sld [smem:$0x3FFD];
	_ =	sdelay $0x3  }
0x96: {  	_ =	strace s2  }
0x97: {  	_ =	strace $0x8FFFFFFF  }
0x98: {  	s20 =	sld [smem:$0x3FDB];
	_ =	sdelay $0x1  }
0x99: {  	s4 =	simm.s32 $_scs_section_size  }
0x9a: {  	s5 =	simm.s32 $_size__tile_overlayer_lowered;
	s6 =	simm.s32 $_tile_overlayer_lowered  }
0x9b: {  	s7 =	simm.s32 $0x1BFF;
	s21 =	sshll.u32 s6, $0x1;
	s4 =	sadd.s32 s4, s20  }
0x9c: {  	s22 =	simm.s32 $0x0;
	s5 =	sshll.u32 s5, $0x1;
	s6 =	sadd.s32 s21, s4  }
0x9d: {  	[timem:s22], [sflag:s7] =	dma.local [hbm:s6], s5  }
0x9e: {  	_ =	swait.ge [sflag:s7], s5  }
0x9f: {  	s5 =	ssub.s32 $0x0, s5;
	[sflag:s7] =	ssyncset.done $0x0  }
0xa0: {  	[sflag:s7] =	ssyncadd.s32 s5;
	_ =	sdelay $0x1  }
0xa1: {  	s23 =	simm.s32 $0x1B8B  }
0xa2: {  	_ =	swait.ge [sflag:s23], $0x1  }
0xa3: {  	[sflag:s23] =	ssyncset.done $0x0  }
0xa4: {  	[sflag:s23] =	ssyncadd.s32 $0xFFFFFFFF  }
0xa5: {  	s5 =	sld [smem:$0x0]  }
0xa6: {  	s6 =	sand.u32 $0xFFFFFFFE, s1  }
0xa7: {  	p0 =	sne.s32 s1, s6  }
0xa8: {  	s6 =	sshll.u32 @p0 s6, $0xE  }
0xa9: {  	s6 =	sadd.s32 @p0 $0x11B8D, s6;
	s7 =	sshll.u32 @p0 s5, $0x11  }
0xaa: {  	s6 =	sor.u32 @p0 s7, s6  }
0xab: {  	[sflag:s6] =	ssyncadd.remote.s32 @p0 $0x1;
	_ =	sdelay $0x1  }
0xac: {  	s6 =	simm.s32 @p0 $0x1B8D  }
0xad: {  	_ =	swait.eq @p0 [sflag:s6], $0x1  }
0xae: {  	[sflag:s6] =	ssyncadd.s32 @p0 $0xFFFFFFFF  }
0xaf: {  	s7 =	sshll.u32 @!p0 s1, $0xE  }
0xb0: {  	s7 =	sor.u32 @!p0 $0x4000, s7;
	s6 =	simm.s32 @!p0 $0x1B8D  }
0xb1: {  	s5 =	sshll.u32 @!p0 s5, $0x11;
	s7 =	sadd.s32 @!p0 $0x11B8D, s7;
	_ =	swait.eq @!p0 [sflag:s6], $0x1  }
0xb2: {  	s5 =	sor.u32 @!p0 s5, s7;
	[sflag:s6] =	ssyncadd.s32 @!p0 $0xFFFFFFFF  }
0xb3: {  	s25 =	simm.s32 $0x1B8E;
	s24 =	sld [smem:$0x3FFE];
	[sflag:s5] =	ssyncadd.remote.s32 @!p0 $0x1  }
0xb4: {  	s26 =	simm.s32 $execute0_lowered;
	[smem:$0x3FD2] =	sst s25  }
0xb5: {  	s6 =	sshll.u32 s26, $0x1;
	_ =	strace $0x80000049;
	[dreg:$0x1] =	wrdreg $0xFFFFFFFF  }
0xb6: {  	s28 =	simm.s32 $_size_execute0_lowered;
	s4 =	sadd.s32 s4, s6;
	[dreg:$0x0] =	wrdreg $0x0  }
0xb7: {  	s6 =	sshll.u32 s28, $0x1;
	[dreg:$0x2] =	wrdreg s4  }
0xb8: {  	[dreg:$0x3] =	wrdreg s6  }
0xb9: {  	[dreg:$0x4] =	wrdreg $0xC0  }
0xba: {  	_ =	task [dreg:s22], $0x5FFFF  }
0xbb: {  	[dreg:$0x1] =	wrdreg $0xFFFFFFFF  }
0xbc: {  	[dreg:$0x0] =	wrdreg $0x60  }
0xbd: {  	[dreg:$0x2] =	wrdreg s24  }
0xbe: {  	[dreg:$0x3] =	wrdreg s18  }
0xbf: {  	[dreg:$0x4] =	wrdreg $0x76200  }
0xc0: {  	[dreg:$0x5] =	wrdreg $0xA  }
0xc1: {  	_ =	task.clear_ibuf [dreg:s22], $0x6FFFF;
	_ =	strace $0x90000049  }
0xc2: {  	s29 =	simm.s32 $0xA;
	_ =	strace $0x8000004B  }
0xc3: {  	_ =	swait.ge [sflag:s29], $0x1  }
0xc4: {  	[sflag:s29] =	ssyncadd.s32 $0xFFFFFFFF  }
0xc5: {  	_ =	strace $0x9000004B  }
0xc6: {  	_ =	sfence  }
0xc7: {  	s30 =	sld [smem:$0x0];
	_ =	sdelay $0x2  }
0xc8: {  	s31 =	sshll.u32 s1, $0xD;
	s1 =	sshrl.u32 s1, $0x2  }
0xc9: {  	s4 =	sand.u32 $0x4000, s31;
	s1 =	sadd.s32 s1, s30  }
0xca: {  	s0 =	sor.u32 s4, s0;
	s1 =	sshll.u32 s1, $0x11  }
0xcb: {  	s0 =	sor.u32 s1, s0  }
0xcc: {  	s0 =	sadd.s32 $0x8F2B, s0  }
0xcd: {  	[sflag:s0] =	ssyncadd.remote.s32 $0x1  }
0xce: {  	_ =	sfence.sel $0xFFFF  }
0xcf: {  	[dreg:$0x0] =	wrdreg $0xFFFFFFFF;
	(pc) =	sbr.abs _section_cstart, $3  }
0xd0: {  	[dreg:$0x1] =	wrdreg $0xFFFFFFFF  }
0xd1: {  	_ =	task.clear_ibuf [dreg:s22], $0x2FFFF;
	_ =	strace $0x9FFFFFFF  }
0xd2: {  	(tm) =	ssettm $0x7FFFFFFF  }
0xd3: {  	_ =	shalt  }
tec
execute0_lowered:
.L_overlay_start_1:
0x0: {  	(tag) =	ssettag $0x1  }
0x1: {  	s6 =	rddreg [dreg:$0x0]  }
0x2: {  	s1 =	rddreg [dreg:$0x1]  }
0x3: {  	s3 =	rddreg [dreg:$0x2]  }
0x4: {  	s0 =	rddreg [dreg:$0x3];
	s4 =	simm.s32 $0x0;
	s5 =	srdreg.scid  }
0x5: {  	s2 =	stileid.u32;
	s13 =	simm.s32 $0x2710;
	s14 =	simm.s32 $0x50  }
0x6: {  	s15 =	simm.s32 $0x4E20;
	s16 =	simm.s32 $0x0;
	s7 =	sand.u32 $0x1, s5  }
0x7: {  	s30 =	sshll.u32 s2, $0x1;
	s8 =	smul.u32 $0x13880, s2;
	[smem:$0x7FF] =	sst s4  }
0x8: {  	s31 =	sshll.u32 s2, $0x6;
	s5 =	sor.u32 s7, s30;
	s9 =	smul.u32 $0x138800, s7  }
0x9: {  	_ =	strace $0x8000004A;
	s7 =	ssub.s32 $0x2, s7;
	s10 =	smul.u32 $0x4E2, s5  }
0xa: {  	s5 =	sadd.s32 $0x22200, s6;
	s11 =	sshrl.u32 s7, $0x1;
	s9 =	sadd.s32 s8, s9  }
0xb: {  	s12 =	sadd.s32 s8, s3;
	s11 =	ssub.s32 s7, s11;
	s9 =	sshrl.u32 s9, $0x3  }
0xc: {  	s10 =	sadd.s32 s10, s6;
	s9 =	sadd.s32 s9, s6;
	s6 =	sor.u32 $0x1C01, s31  }
0xd: {  	s7 =	sadd.s32 $0xDE00, s10;
	s8 =	sadd.s32 $0x4000, s10;
	s10 =	smax.u32 s11, $0x1  }
0xe: {  	s11 =	sshrl.u32 s12, $0x3;
	s12 =	simm.s32 $0x1;
	s9 =	sadd.s32 $0x49400, s9  }
.LBB2_1:
0xf: {  	[spmem:s11], [sflag:s6] =	dma.local [hbm:s1], $0x2710  }
0x10: {  	_ =	swait.ge [sflag:s12], $0x2710  }
0x11: {  	[sflag:s12] =	ssyncset.done $0x0  }
0x12: {  	[sflag:s12] =	ssyncadd.s32 $0xFFFFD8F0  }
0x13: {  	[tilespmem:s4], [sflag:$0x1] =	stream.linear.gather [hbm4b:s7+s4], $0x2710, $0x38;
	[tilespmem:$0x1AEA0] =	vst v63  }
0x14: {  	_ =	swait.ge [sflag:s12], $0x2710  }
0x15: {  	[sflag:s12] =	ssyncset.done $0x0  }
0x16: {  	[sflag:s12] =	ssyncadd.s32 $0xFFFFD8F0  }
0x17: {  	[tilespmem:s13], [sflag:$0x1] =	stream.linear.gather [hbm4b:s8+s4], $0x2710, $0x38;
	[tilespmem:$0x1AEA0] =	vst v63  }
0x18: {  	_ =	swait.ge [sflag:s12], $0x2710  }
0x19: {  	[sflag:s12] =	ssyncset.done $0x0  }
0x1a: {  	[sflag:s12] =	ssyncadd.s32 $0xFFFFD8F0  }
0x1b: {  	s17 =	simm.s32 $0x0;
	[bflag:$0x0] =	sbarrier.arrive $0xFFFF  }
0x1c: {  	[tilespmem:s15], [sflag:$0x1] =	stream.indirect.gather [hbm4b:s5+s14], $0x80, s17, s14, $0xb8;
	[tilespmem:$0x1AEA0] =	vst v63  }
0x1d: {  	_ =	swait.ge [sflag:s12], $0x2800  }
0x1e: {  	[sflag:s12] =	ssyncset.done $0x0  }
0x1f: {  	s31 =	simm.s32 $0x2710;
	[sflag:s12] =	ssyncadd.s32 $0xFFFFD800  }
0x20: {  	[spmem:s3] =	stream.indirect.scatter.add.f32 [tilespmem:s15], [sflag:$0x1], $0x80, s31, s14, $0xb8;
	[tilespmem:$0x1AEA0] =	vst v63  }
0x21: {  	_ =	swait.ge [sflag:s12], $0x2800  }
0x22: {  	s18 =	simm.s32 $0x280;
	s17 =	simm.s32 $0x140;
	[sflag:s12] =	ssyncset.done $0x0  }
.LBB2_2:
0x23: {  	s19 =	sshra.s32 s17, $0x2  }
0x24: {  	[sflag:s12] =	ssyncadd.s32 $0xFFFFD800;
	s17 =	smov.u32 s18;
	s20 =	sadd.s32 $0x140, s18  }
0x25: {  	[tilespmem:s15], [sflag:$0x1] =	stream.indirect.gather [hbm4b:s5+s14], $0x80, s19, s14, $0xb8;
	[tilespmem:$0x1AEA0] =	vst v63  }
0x26: {  	p0 =	sne.s32 s18, $0x9B00;
	_ =	swait.ge [sflag:s12], $0x2800  }
.Ltmp0:
0x27: {  	[sflag:s12] =	ssyncset.done $0x0;
	(pc) =	sbr.rel @p0 .LBB2_2-.Ltmp0, $4  }
0x28: {  	s18 =	sadd.s32 $0x2710, s19;
	[sflag:s12] =	ssyncadd.s32 $0xFFFFD800  }
0x29: {  	[spmem:s3] =	stream.indirect.scatter.add.f32 [tilespmem:s15], [sflag:$0x1], $0x80, s18, s14, $0xb8;
	[tilespmem:$0x1AEA0] =	vst v63  }
0x2a: {  	_ =	swait.ge [sflag:s12], $0x2800  }
0x2b: {  	s18 =	smov.u32 s20;
	[sflag:s12] =	ssyncset.done $0x0  }
0x2c: {  	s17 =	sshra.s32 s17, $0x2;
	[sflag:s12] =	ssyncadd.s32 $0xFFFFD800  }
0x2d: {  	[tilespmem:s15], [sflag:$0x1] =	stream.indirect.gather [hbm4b:s5+s14], $0x80, s17, s14, $0xb8;
	[tilespmem:$0x1AEA0] =	vst v63  }
0x2e: {  	_ =	swait.ge [sflag:s12], $0x2800  }
0x2f: {  	[sflag:s12] =	ssyncset.done $0x0  }
0x30: {  	s17 =	sadd.s32 $0x2710, s17;
	[sflag:s12] =	ssyncadd.s32 $0xFFFFD800  }
0x31: {  	[spmem:s3] =	stream.indirect.scatter.add.f32 [tilespmem:s15], [sflag:$0x1], $0x80, s17, s14, $0xb8;
	[tilespmem:$0x1AEA0] =	vst v63  }
0x32: {  	_ =	swait.ge [sflag:s12], $0x2800  }
0x33: {  	s16 =	sadd.s32 $0x1, s16;
	[sflag:s12] =	ssyncset.done $0x0  }
0x34: {  	p0 =	sne.s32 s16, s10;
	[sflag:s12] =	ssyncadd.s32 $0xFFFFD800  }
.Ltmp1:
0x35: {  	[bflag:$0x0] =	sbarrier.arrive $0xFFFF;
	(pc) =	sbr.rel @p0 .LBB2_1-.Ltmp1, $4  }
0x36: {  	[hbm:s9], [sflag:s6] =	dma.local [spmem:s11], $0x2710  }
0x37: {  	_ =	swait.ge [sflag:s12], $0x2710  }
0x38: {  	[sflag:s12] =	ssyncset.done $0x0  }
0x39: {  	[sflag:s12] =	ssyncadd.s32 $0xFFFFD8F0  }
0x3a: {  	_ =	sfence.sel $0x180000  }
0x3b: {  	[bflag:$0x0] =	sbarrier.arrive $0xFFFF  }
0x3c: {  	p0 =	sne.s32 s2, $0x0;
	_ =	strace $0x9000004A  }
0x3d: {  	s0 =	sadd.s32 @!p0 $0x100000, s0;
	[bflag:$0x2] =	sbarrier.arrive $0xFFFF  }
0x3e: {  	[sflag:s0] =	ssyncadd.tile.s32 @!p0 $0x1;
	_ =	shalt  }
.Lfunc_end2:
_tile_overlayer_lowered:
.L_overlay_start_2:
0x3f: {  	(tag) =	ssettag $0x2  }
0x40: {  	s0 =	rddreg [dreg:$0x0];
	s2 =	stileid.u32  }
0x41: {  	s1 =	rddreg [dreg:$0x1];
	p0 =	sne.s32 s2, $0x0  }
0x42: {  	s3 =	rddreg [dreg:$0x2];
	[bflag:$0x3] =	sbarrier.arrive $0xFFFF;
	s2 =	simm.s32 @!p0 $0x1C01  }
0x43: {  	[timem:s3], [sflag:s2] =	dma.local @!p0 [hbm:s0], s1  }
0x44: {  	s0 =	simm.s32 @!p0 $0x1  }
0x45: {  	_ =	swait.ge @!p0 [sflag:s0], s1  }
0x46: {  	s1 =	ssub.s32 @!p0 $0x0, s1;
	[sflag:s0] =	ssyncset.done @!p0 $0x0  }
0x47: {  	[sflag:s0] =	ssyncadd.s32 @!p0 s1  }
0x48: {  	[bflag:$0x3] =	sbarrier.arrive $0xFFFF  }
0x49: {  	_ =	shalt  }

// kernel: kernel.16.cloned.1.call-start
scs
__scs_entry_jumppad:
0x0: {  	(pc) =	sbr.rel $0x88, $3  }
0x1: {  	(tag) =	ssettag $0x0;
	lr =	simm.s32 $0x1  }
0x2: {  	[smem:$0x3F8D] =	sst lr;
	_ =	strace $0xD0000000  }
0x3: {  	_ = 	snop  }
0x4: {  	_ = 	snop  }
0x5: {  	_ = 	snop  }
0x6: {  	_ = 	snop  }
0x7: {  	_ = 	snop  }
__scs_overlays_trampoline_lowered:
0x8: {  	[smem:$0x3F9C] =	sst s0  }
0x9: {  	[smem:$0x3F9D] =	sst s1  }
0xa: {  	[smem:$0x3F9E] =	sst s2  }
0xb: {  	[smem:$0x3F9F] =	sst s3  }
0xc: {  	[smem:$0x3FA0] =	sst s4  }
0xd: {  	[smem:$0x3FA1] =	sst s5  }
0xe: {  	[smem:$0x3FA2] =	sst s6  }
0xf: {  	[smem:$0x3FA3] =	sst s7  }
0x10: {  	[smem:$0x3FA4] =	sst s8  }
0x11: {  	[smem:$0x3FA5] =	sst s9;
	s0 =	simm.s32 @!p0 $0x0  }
0x12: {  	s1 =	sld [smem:$0x3F8B];
	s0 =	simm.s32 @p0 $0x1  }
0x13: {  	[smem:$0x3FA6] =	sst s0;
	s0 =	simm.s32 @!p1 $0x0  }
0x14: {  	s2 =	sld [smem:$0x3F8A];
	s0 =	simm.s32 @p1 $0x1  }
0x15: {  	[smem:$0x3FA7] =	sst s0;
	s0 =	simm.s32 @!p2 $0x0  }
0x16: {  	s3 =	sld [smem:$0x3FDB];
	s0 =	simm.s32 @p2 $0x1  }
0x17: {  	s4 =	simm.s32 $0x1BF5;
	[smem:$0x3FA9] =	sst s0  }
0x18: {  	s0 =	sld [smem:$0x3F8C];
	_ =	swait.ge [sflag:s4], $0x0  }
0x19: {  	s7 =	sld [smem:$0x3F8D]  }
0x1a: {  	s8 =	sadd.s32 $0xFFFFE003, lr  }
0x1b: {  	s9 =	sadd.s32 $0xFFFFFEF7, lr;
	s5 =	simm.s32 $0xFFFFFFFF;
	p2 =	slt.u32 s8, $0xFFFFF086  }
0x1c: {  	p1 =	slt.u32 s9, $0xF7A;
	s5 =	simm.s32 @!p2 $0x0  }
0x1d: {  	s5 =	simm.s32 @p1 $0x1;
	p0 =	seq.s32 s7, s2  }
0x1e: {  	s7 =	smul.u32 @!p0 $0xF7A, s2;
	p2 =	seq.s32 @!p0 s5, $0x0  }
0x1f: {  	s9 =	smul.u32 $0xF7A, s1;
	s8 =	simm.s32 @!p0 $0x1BF5;
	p2 =	por !p2, p0  }
0x20: {  	[sflag:s8] =	ssyncset.s32 @!p0 $0xFFFFF086;
	s6 =	sadd.s32 @!p0 s3, s7;
	s7 =	simm.s32 @!p0 $0x108  }
0x21: {  	s3 =	sadd.s32 s3, s9;
	s6 =	sadd.s32 @!p0 $0x88, s6;
	s7 =	simm.s32 @p2 $0x1082  }
0x22: {  	[simem:s7], [sflag:s8] =	dma.local @!p0 [hbm:s6], $0xF7A  }
0x23: {  	s9 =	sor.u32 $0xD0000000, s2;
	s6 =	simm.s32 $0x108;
	_ =	swait.ge @!p0 [sflag:s8], $0x0  }
0x24: {  	s3 =	sadd.s32 $0x88, s3;
	s6 =	simm.s32 @!p1 $0x1082;
	[sflag:s4] =	ssyncset.s32 $0xFFFFF086  }
0x25: {  	[simem:s6], [sflag:s4] =	dma.local [hbm:s3], $0xF7A  }
0x26: {  	[smem:$0x3F8D] =	sst s1;
	(tag) =	ssettag s2;
	_ =	strace s9  }
0x27: {  	s1 =	sld [smem:$0x3F9D]  }
0x28: {  	s2 =	sld [smem:$0x3F9E]  }
0x29: {  	s4 =	sld [smem:$0x3FA0]  }
0x2a: {  	p0 =	seq.s32 s5, $0x0;
	s5 =	sld [smem:$0x3FA1]  }
0x2b: {  	s6 =	sld [smem:$0x3FA2]  }
0x2c: {  	s7 =	sld [smem:$0x3FA3]  }
0x2d: {  	s3 =	simm.s32 $0x108;
	s8 =	sld [smem:$0x3FA4]  }
0x2e: {  	s3 =	simm.s32 @!p0 $0x1082;
	s9 =	sld [smem:$0x3FA5]  }
0x2f: {  	lr =	sadd.s32 s0, s3;
	s0 =	sld [smem:$0x3F9C]  }
0x30: {  	s3 =	sld [smem:$0x3F9F]  }
0x31: {  	[smem:$0x3FA8] =	sst s10  }
0x32: {  	s10 =	sld [smem:$0x3FA6];
	_ =	sdelay $0x3  }
0x33: {  	p0 =	seq.s32 s10, $0x1;
	s10 =	sld [smem:$0x3FA8];
	_ =	sdelay $0x3  }
0x34: {  	[smem:$0x3FA8] =	sst s10  }
0x35: {  	s10 =	sld [smem:$0x3FA7];
	_ =	sdelay $0x3  }
0x36: {  	p1 =	seq.s32 s10, $0x1;
	s10 =	sld [smem:$0x3FA8];
	_ =	sdelay $0x3  }
0x37: {  	[smem:$0x3FA8] =	sst s10  }
0x38: {  	s10 =	sld [smem:$0x3FA9]  }
0x39: {  	_ = 	snop;
	(pc) =	sbr.ind lr, $3  }
0x3a: {  	_ = 	snop  }
0x3b: {  	_ = 	snop  }
0x3c: {  	p2 =	seq.s32 s10, $0x1;
	s10 =	sld [smem:$0x3FA8]  }
0x3d: {  	_ =	shalt  }
0x3e: {  	_ =	shalt  }
0x3f: {  	_ =	shalt  }
0x40: {  	_ =	shalt  }
0x41: {  	_ =	shalt  }
0x42: {  	_ =	shalt  }
0x43: {  	_ =	shalt  }
0x44: {  	_ =	shalt  }
0x45: {  	_ =	shalt  }
0x46: {  	_ =	shalt  }
0x47: {  	_ =	shalt  }
0x48: {  	_ =	shalt  }
0x49: {  	_ =	shalt  }
0x4a: {  	_ =	shalt  }
0x4b: {  	_ =	shalt  }
0x4c: {  	_ =	shalt  }
0x4d: {  	_ =	shalt  }
0x4e: {  	_ =	shalt  }
0x4f: {  	_ =	shalt  }
0x50: {  	_ =	shalt  }
0x51: {  	_ =	shalt  }
0x52: {  	_ =	shalt  }
0x53: {  	_ =	shalt  }
0x54: {  	_ =	shalt  }
0x55: {  	_ =	shalt  }
0x56: {  	_ =	shalt  }
0x57: {  	_ =	shalt  }
0x58: {  	_ =	shalt  }
0x59: {  	_ =	shalt  }
0x5a: {  	_ =	shalt  }
0x5b: {  	_ =	shalt  }
0x5c: {  	_ =	shalt  }
0x5d: {  	_ =	shalt  }
0x5e: {  	_ =	shalt  }
0x5f: {  	_ =	shalt  }
0x60: {  	_ =	shalt  }
0x61: {  	_ =	shalt  }
0x62: {  	_ =	shalt  }
0x63: {  	_ =	shalt  }
0x64: {  	_ =	shalt  }
0x65: {  	_ =	shalt  }
0x66: {  	_ =	shalt  }
0x67: {  	_ =	shalt  }
0x68: {  	_ =	shalt  }
0x69: {  	_ =	shalt  }
0x6a: {  	_ =	shalt  }
0x6b: {  	_ =	shalt  }
0x6c: {  	_ =	shalt  }
0x6d: {  	_ =	shalt  }
0x6e: {  	_ =	shalt  }
0x6f: {  	_ =	shalt  }
0x70: {  	_ =	shalt  }
0x71: {  	_ =	shalt  }
0x72: {  	_ =	shalt  }
0x73: {  	_ =	shalt  }
0x74: {  	_ =	shalt  }
0x75: {  	_ =	shalt  }
0x76: {  	_ =	shalt  }
0x77: {  	_ =	shalt  }
0x78: {  	_ =	shalt  }
0x79: {  	_ =	shalt  }
0x7a: {  	_ =	shalt  }
0x7b: {  	_ =	shalt  }
0x7c: {  	_ =	shalt  }
0x7d: {  	_ =	shalt  }
0x7e: {  	_ =	shalt  }
0x7f: {  	_ =	shalt  }
0x80: {  	_ =	shalt  }
0x81: {  	_ =	shalt  }
0x82: {  	_ =	shalt  }
0x83: {  	_ =	shalt  }
0x84: {  	_ =	shalt  }
0x85: {  	_ =	shalt  }
0x86: {  	_ =	shalt  }
0x87: {  	_ =	shalt  }
.Lfunc_end0:
.L_simem_size_0:
called_computation.2_lowered:
.L_overlay_start_0:
0x88: {  	s2 =	sld [smem:$0x3FD9]  }
0x89: {  	s3 =	sld [smem:$0x3FFE];
	_ =	sdelay $0x1  }
0x8a: {  	s1 =	srdreg.scid  }
0x8b: {  	s0 =	sand.u32 $0x1, s1  }
0x8c: {  	s17 =	sshll.u32 s0, $0xA;
	s2 =	sadd.s32 s3, s2  }
0x8d: {  	s2 =	sadd.s32 s2, s17  }
0x8e: {  	[smem:$0x3FB4] =	sst s2  }
0x8f: {  	_ = 	snop  }
0x90: {  	s2 =	sld [smem:$0x3FD0];
	(tm) =	ssettm $0x1  }
0x91: {  	s18 =	sld [smem:$0x3FFB];
	_ =	sdelay $0x3  }
0x92: {  	_ =	strace s18  }
0x93: {  	s3 =	sld [smem:$0x3FFC];
	_ =	sdelay $0x3  }
0x94: {  	_ =	strace s3  }
0x95: {  	s3 =	sld [smem:$0x3FFD];
	_ =	sdelay $0x3  }
0x96: {  	_ =	strace s3  }
0x97: {  	_ =	strace $0x8FFFFFFF  }
0x98: {  	s19 =	sld [smem:$0x3FDB];
	_ =	sdelay $0x1  }
0x99: {  	s4 =	simm.s32 $_scs_section_size  }
0x9a: {  	s5 =	simm.s32 $_size__tile_overlayer_lowered;
	s6 =	simm.s32 $_tile_overlayer_lowered  }
0x9b: {  	s22 =	simm.s32 $0x1BFF;
	s21 =	sshll.u32 s6, $0x1;
	s3 =	sadd.s32 s4, s19  }
0x9c: {  	s7 =	simm.s32 $0x0;
	s20 =	sshll.u32 s5, $0x1;
	s5 =	sadd.s32 s21, s3  }
0x9d: {  	[timem:s7], [sflag:s22] =	dma.local [hbm:s5], s20  }
0x9e: {  	_ =	swait.ge [sflag:s22], s20  }
0x9f: {  	s4 =	ssub.s32 $0x0, s20;
	[sflag:s22] =	ssyncset.done $0x0  }
0xa0: {  	[sflag:s22] =	ssyncadd.s32 s4;
	_ =	sdelay $0x1  }
0xa1: {  	s23 =	simm.s32 $0x1B8B  }
0xa2: {  	_ =	swait.ge [sflag:s23], $0x1  }
0xa3: {  	[sflag:s23] =	ssyncset.done $0x0  }
0xa4: {  	s25 =	simm.s32 $0x1B8E;
	s24 =	sld [smem:$0x3FFE];
	[sflag:s23] =	ssyncadd.s32 $0xFFFFFFFF  }
0xa5: {  	s26 =	simm.s32 $execute0_lowered;
	[smem:$0x3FD2] =	sst s25  }
0xa6: {  	s5 =	sshll.u32 s26, $0x1;
	_ =	strace $0x8000004C;
	[dreg:$0x1] =	wrdreg $0xFFFFFFFF  }
0xa7: {  	s28 =	simm.s32 $_size_execute0_lowered;
	s3 =	sadd.s32 s3, s5;
	[dreg:$0x0] =	wrdreg $0x0  }
0xa8: {  	s5 =	sshll.u32 s28, $0x1;
	[dreg:$0x2] =	wrdreg s3  }
0xa9: {  	[dreg:$0x3] =	wrdreg s5  }
0xaa: {  	[dreg:$0x4] =	wrdreg $0xC0  }
0xab: {  	_ =	task [dreg:s7], $0x5FFFF  }
0xac: {  	[dreg:$0x1] =	wrdreg $0xFFFFFFFF  }
0xad: {  	[dreg:$0x0] =	wrdreg $0x60  }
0xae: {  	[dreg:$0x2] =	wrdreg s24  }
0xaf: {  	[dreg:$0x3] =	wrdreg s2  }
0xb0: {  	[dreg:$0x4] =	wrdreg $0x76200  }
0xb1: {  	[dreg:$0x5] =	wrdreg $0x9  }
0xb2: {  	_ =	task.clear_ibuf [dreg:s7], $0x6FFFF;
	_ =	strace $0x9000004C  }
0xb3: {  	s29 =	simm.s32 $0x9;
	_ =	strace $0x8000004E  }
0xb4: {  	_ =	swait.ge [sflag:s29], $0x1  }
0xb5: {  	[sflag:s29] =	ssyncadd.s32 $0xFFFFFFFF  }
0xb6: {  	_ =	strace $0x9000004E  }
0xb7: {  	_ =	sfence  }
0xb8: {  	s30 =	sld [smem:$0x0];
	_ =	sdelay $0x2  }
0xb9: {  	s31 =	sshll.u32 s1, $0xD;
	s1 =	sshrl.u32 s1, $0x2  }
0xba: {  	s3 =	sand.u32 $0x4000, s31;
	s1 =	sadd.s32 s1, s30  }
0xbb: {  	s0 =	sor.u32 s3, s0;
	s1 =	sshll.u32 s1, $0x11  }
0xbc: {  	s0 =	sor.u32 s1, s0  }
0xbd: {  	s0 =	sadd.s32 $0x8F2B, s0  }
0xbe: {  	[sflag:s0] =	ssyncadd.remote.s32 $0x1  }
0xbf: {  	_ =	sfence.sel $0xFFFF  }
0xc0: {  	[dreg:$0x0] =	wrdreg $0xFFFFFFFF;
	(pc) =	sbr.abs _section_cstart, $3  }
0xc1: {  	[dreg:$0x1] =	wrdreg $0xFFFFFFFF  }
0xc2: {  	_ =	task.clear_ibuf [dreg:s7], $0x2FFFF;
	_ =	strace $0x9FFFFFFF  }
0xc3: {  	(tm) =	ssettm $0x7FFFFFFF  }
tec
execute0_lowered:
.L_overlay_start_1:
0x0: {  	(tag) =	ssettag $0x1  }
0x1: {  	s6 =	rddreg [dreg:$0x0]  }
0x2: {  	s1 =	rddreg [dreg:$0x1]  }
0x3: {  	s3 =	rddreg [dreg:$0x2]  }
0x4: {  	s0 =	rddreg [dreg:$0x3];
	s4 =	simm.s32 $0x0;
	s5 =	srdreg.scid  }
0x5: {  	s2 =	stileid.u32;
	s13 =	simm.s32 $0x2710;
	s14 =	simm.s32 $0x50  }
0x6: {  	s15 =	simm.s32 $0x4E20;
	s16 =	simm.s32 $0x0;
	s7 =	sand.u32 $0x1, s5  }
0x7: {  	s30 =	sshll.u32 s2, $0x1;
	s8 =	smul.u32 $0x13880, s2;
	[smem:$0x7FF] =	sst s4  }
0x8: {  	s31 =	sshll.u32 s2, $0x6;
	s5 =	sor.u32 s7, s30;
	s9 =	smul.u32 $0x138800, s7  }
0x9: {  	_ =	strace $0x8000004D;
	s7 =	ssub.s32 $0x2, s7;
	s10 =	smul.u32 $0x4E2, s5  }
0xa: {  	s5 =	sadd.s32 $0x17C00, s6;
	s11 =	sshrl.u32 s7, $0x1;
	s9 =	sadd.s32 s8, s9  }
0xb: {  	s12 =	sadd.s32 s8, s3;
	s11 =	ssub.s32 s7, s11;
	s9 =	sshrl.u32 s9, $0x3  }
0xc: {  	s10 =	sadd.s32 s10, s6;
	s9 =	sadd.s32 s9, s6;
	s6 =	sor.u32 $0x1C01, s31  }
0xd: {  	s7 =	sadd.s32 $0xDE00, s10;
	s8 =	sadd.s32 $0x4000, s10;
	s10 =	smax.u32 s11, $0x1  }
0xe: {  	s11 =	sshrl.u32 s12, $0x3;
	s12 =	simm.s32 $0x1;
	s9 =	sadd.s32 $0x3EE00, s9  }
.LBB2_1:
0xf: {  	[spmem:s11], [sflag:s6] =	dma.local [hbm:s1], $0x2710  }
0x10: {  	_ =	swait.ge [sflag:s12], $0x2710  }
0x11: {  	[sflag:s12] =	ssyncset.done $0x0  }
0x12: {  	[sflag:s12] =	ssyncadd.s32 $0xFFFFD8F0  }
0x13: {  	[tilespmem:s4], [sflag:$0x1] =	stream.linear.gather [hbm4b:s7+s4], $0x2710, $0x38;
	[tilespmem:$0x1AEA0] =	vst v63  }
0x14: {  	_ =	swait.ge [sflag:s12], $0x2710  }
0x15: {  	[sflag:s12] =	ssyncset.done $0x0  }
0x16: {  	[sflag:s12] =	ssyncadd.s32 $0xFFFFD8F0  }
0x17: {  	[tilespmem:s13], [sflag:$0x1] =	stream.linear.gather [hbm4b:s8+s4], $0x2710, $0x38;
	[tilespmem:$0x1AEA0] =	vst v63  }
0x18: {  	_ =	swait.ge [sflag:s12], $0x2710  }
0x19: {  	[sflag:s12] =	ssyncset.done $0x0  }
0x1a: {  	[sflag:s12] =	ssyncadd.s32 $0xFFFFD8F0  }
0x1b: {  	s17 =	simm.s32 $0x0;
	[bflag:$0x0] =	sbarrier.arrive $0xFFFF  }
0x1c: {  	[tilespmem:s15], [sflag:$0x1] =	stream.indirect.gather [hbm4b:s5+s14], $0x80, s17, s14, $0xb8;
	[tilespmem:$0x1AEA0] =	vst v63  }
0x1d: {  	_ =	swait.ge [sflag:s12], $0x2800  }
0x1e: {  	[sflag:s12] =	ssyncset.done $0x0  }
0x1f: {  	s31 =	simm.s32 $0x2710;
	[sflag:s12] =	ssyncadd.s32 $0xFFFFD800  }
0x20: {  	[spmem:s3] =	stream.indirect.scatter.add.f32 [tilespmem:s15], [sflag:$0x1], $0x80, s31, s14, $0xb8;
	[tilespmem:$0x1AEA0] =	vst v63  }
0x21: {  	_ =	swait.ge [sflag:s12], $0x2800  }
0x22: {  	s18 =	simm.s32 $0x280;
	s17 =	simm.s32 $0x140;
	[sflag:s12] =	ssyncset.done $0x0  }
.LBB2_2:
0x23: {  	s19 =	sshra.s32 s17, $0x2  }
0x24: {  	[sflag:s12] =	ssyncadd.s32 $0xFFFFD800;
	s17 =	smov.u32 s18;
	s20 =	sadd.s32 $0x140, s18  }
0x25: {  	[tilespmem:s15], [sflag:$0x1] =	stream.indirect.gather [hbm4b:s5+s14], $0x80, s19, s14, $0xb8;
	[tilespmem:$0x1AEA0] =	vst v63  }
0x26: {  	p0 =	sne.s32 s18, $0x9B00;
	_ =	swait.ge [sflag:s12], $0x2800  }
.Ltmp0:
0x27: {  	[sflag:s12] =	ssyncset.done $0x0;
	(pc) =	sbr.rel @p0 .LBB2_2-.Ltmp0, $4  }
0x28: {  	s18 =	sadd.s32 $0x2710, s19;
	[sflag:s12] =	ssyncadd.s32 $0xFFFFD800  }
0x29: {  	[spmem:s3] =	stream.indirect.scatter.add.f32 [tilespmem:s15], [sflag:$0x1], $0x80, s18, s14, $0xb8;
	[tilespmem:$0x1AEA0] =	vst v63  }
0x2a: {  	_ =	swait.ge [sflag:s12], $0x2800  }
0x2b: {  	s18 =	smov.u32 s20;
	[sflag:s12] =	ssyncset.done $0x0  }
0x2c: {  	s17 =	sshra.s32 s17, $0x2;
	[sflag:s12] =	ssyncadd.s32 $0xFFFFD800  }
0x2d: {  	[tilespmem:s15], [sflag:$0x1] =	stream.indirect.gather [hbm4b:s5+s14], $0x80, s17, s14, $0xb8;
	[tilespmem:$0x1AEA0] =	vst v63  }
0x2e: {  	_ =	swait.ge [sflag:s12], $0x2800  }
0x2f: {  	[sflag:s12] =	ssyncset.done $0x0  }
0x30: {  	s17 =	sadd.s32 $0x2710, s17;
	[sflag:s12] =	ssyncadd.s32 $0xFFFFD800  }
0x31: {  	[spmem:s3] =	stream.indirect.scatter.add.f32 [tilespmem:s15], [sflag:$0x1], $0x80, s17, s14, $0xb8;
	[tilespmem:$0x1AEA0] =	vst v63  }
0x32: {  	_ =	swait.ge [sflag:s12], $0x2800  }
0x33: {  	s16 =	sadd.s32 $0x1, s16;
	[sflag:s12] =	ssyncset.done $0x0  }
0x34: {  	p0 =	sne.s32 s16, s10;
	[sflag:s12] =	ssyncadd.s32 $0xFFFFD800  }
.Ltmp1:
0x35: {  	[bflag:$0x0] =	sbarrier.arrive $0xFFFF;
	(pc) =	sbr.rel @p0 .LBB2_1-.Ltmp1, $4  }
0x36: {  	[hbm:s9], [sflag:s6] =	dma.local [spmem:s11], $0x2710  }
0x37: {  	_ =	swait.ge [sflag:s12], $0x2710  }
0x38: {  	[sflag:s12] =	ssyncset.done $0x0  }
0x39: {  	[sflag:s12] =	ssyncadd.s32 $0xFFFFD8F0  }
0x3a: {  	_ =	sfence.sel $0x180000  }
0x3b: {  	[bflag:$0x0] =	sbarrier.arrive $0xFFFF  }
0x3c: {  	p0 =	sne.s32 s2, $0x0;
	_ =	strace $0x9000004D  }
0x3d: {  	s0 =	sadd.s32 @!p0 $0x100000, s0;
	[bflag:$0x2] =	sbarrier.arrive $0xFFFF  }
0x3e: {  	[sflag:s0] =	ssyncadd.tile.s32 @!p0 $0x1;
	_ =	shalt  }
.Lfunc_end2:
_tile_overlayer_lowered:
.L_overlay_start_2:
0x3f: {  	(tag) =	ssettag $0x2  }
0x40: {  	s0 =	rddreg [dreg:$0x0];
	s2 =	stileid.u32  }
0x41: {  	s1 =	rddreg [dreg:$0x1];
	p0 =	sne.s32 s2, $0x0  }
0x42: {  	s3 =	rddreg [dreg:$0x2];
	[bflag:$0x3] =	sbarrier.arrive $0xFFFF;
	s2 =	simm.s32 @!p0 $0x1C01  }
0x43: {  	[timem:s3], [sflag:s2] =	dma.local @!p0 [hbm:s0], s1  }
0x44: {  	s0 =	simm.s32 @!p0 $0x1  }
0x45: {  	_ =	swait.ge @!p0 [sflag:s0], s1  }
0x46: {  	s1 =	ssub.s32 @!p0 $0x0, s1;
	[sflag:s0] =	ssyncset.done @!p0 $0x0  }
0x47: {  	[sflag:s0] =	ssyncadd.s32 @!p0 s1  }
0x48: {  	[bflag:$0x3] =	sbarrier.arrive $0xFFFF  }
0x49: {  	_ =	shalt  }

// kernel: kernel.19.cloned.1.call-start
scs
__scs_entry_jumppad:
0x0: {  	(pc) =	sbr.rel $0x88, $3  }
0x1: {  	(tag) =	ssettag $0x0;
	lr =	simm.s32 $0x1  }
0x2: {  	[smem:$0x3F8D] =	sst lr;
	_ =	strace $0xD0000000  }
0x3: {  	_ = 	snop  }
0x4: {  	_ = 	snop  }
0x5: {  	_ = 	snop  }
0x6: {  	_ = 	snop  }
0x7: {  	_ = 	snop  }
__scs_overlays_trampoline_lowered:
0x8: {  	[smem:$0x3F9C] =	sst s0  }
0x9: {  	[smem:$0x3F9D] =	sst s1  }
0xa: {  	[smem:$0x3F9E] =	sst s2  }
0xb: {  	[smem:$0x3F9F] =	sst s3  }
0xc: {  	[smem:$0x3FA0] =	sst s4  }
0xd: {  	[smem:$0x3FA1] =	sst s5  }
0xe: {  	[smem:$0x3FA2] =	sst s6  }
0xf: {  	[smem:$0x3FA3] =	sst s7  }
0x10: {  	[smem:$0x3FA4] =	sst s8  }
0x11: {  	[smem:$0x3FA5] =	sst s9;
	s0 =	simm.s32 @!p0 $0x0  }
0x12: {  	s1 =	sld [smem:$0x3F8B];
	s0 =	simm.s32 @p0 $0x1  }
0x13: {  	[smem:$0x3FA6] =	sst s0;
	s0 =	simm.s32 @!p1 $0x0  }
0x14: {  	s2 =	sld [smem:$0x3F8A];
	s0 =	simm.s32 @p1 $0x1  }
0x15: {  	[smem:$0x3FA7] =	sst s0;
	s0 =	simm.s32 @!p2 $0x0  }
0x16: {  	s3 =	sld [smem:$0x3FDB];
	s0 =	simm.s32 @p2 $0x1  }
0x17: {  	s4 =	simm.s32 $0x1BF5;
	[smem:$0x3FA9] =	sst s0  }
0x18: {  	s0 =	sld [smem:$0x3F8C];
	_ =	swait.ge [sflag:s4], $0x0  }
0x19: {  	s7 =	sld [smem:$0x3F8D]  }
0x1a: {  	s8 =	sadd.s32 $0xFFFFE003, lr  }
0x1b: {  	s9 =	sadd.s32 $0xFFFFFEF7, lr;
	s5 =	simm.s32 $0xFFFFFFFF;
	p2 =	slt.u32 s8, $0xFFFFF086  }
0x1c: {  	p1 =	slt.u32 s9, $0xF7A;
	s5 =	simm.s32 @!p2 $0x0  }
0x1d: {  	s5 =	simm.s32 @p1 $0x1;
	p0 =	seq.s32 s7, s2  }
0x1e: {  	s7 =	smul.u32 @!p0 $0xF7A, s2;
	p2 =	seq.s32 @!p0 s5, $0x0  }
0x1f: {  	s9 =	smul.u32 $0xF7A, s1;
	s8 =	simm.s32 @!p0 $0x1BF5;
	p2 =	por !p2, p0  }
0x20: {  	[sflag:s8] =	ssyncset.s32 @!p0 $0xFFFFF086;
	s6 =	sadd.s32 @!p0 s3, s7;
	s7 =	simm.s32 @!p0 $0x108  }
0x21: {  	s3 =	sadd.s32 s3, s9;
	s6 =	sadd.s32 @!p0 $0x88, s6;
	s7 =	simm.s32 @p2 $0x1082  }
0x22: {  	[simem:s7], [sflag:s8] =	dma.local @!p0 [hbm:s6], $0xF7A  }
0x23: {  	s9 =	sor.u32 $0xD0000000, s2;
	s6 =	simm.s32 $0x108;
	_ =	swait.ge @!p0 [sflag:s8], $0x0  }
0x24: {  	s3 =	sadd.s32 $0x88, s3;
	s6 =	simm.s32 @!p1 $0x1082;
	[sflag:s4] =	ssyncset.s32 $0xFFFFF086  }
0x25: {  	[simem:s6], [sflag:s4] =	dma.local [hbm:s3], $0xF7A  }
0x26: {  	[smem:$0x3F8D] =	sst s1;
	(tag) =	ssettag s2;
	_ =	strace s9  }
0x27: {  	s1 =	sld [smem:$0x3F9D]  }
0x28: {  	s2 =	sld [smem:$0x3F9E]  }
0x29: {  	s4 =	sld [smem:$0x3FA0]  }
0x2a: {  	p0 =	seq.s32 s5, $0x0;
	s5 =	sld [smem:$0x3FA1]  }
0x2b: {  	s6 =	sld [smem:$0x3FA2]  }
0x2c: {  	s7 =	sld [smem:$0x3FA3]  }
0x2d: {  	s3 =	simm.s32 $0x108;
	s8 =	sld [smem:$0x3FA4]  }
0x2e: {  	s3 =	simm.s32 @!p0 $0x1082;
	s9 =	sld [smem:$0x3FA5]  }
0x2f: {  	lr =	sadd.s32 s0, s3;
	s0 =	sld [smem:$0x3F9C]  }
0x30: {  	s3 =	sld [smem:$0x3F9F]  }
0x31: {  	[smem:$0x3FA8] =	sst s10  }
0x32: {  	s10 =	sld [smem:$0x3FA6];
	_ =	sdelay $0x3  }
0x33: {  	p0 =	seq.s32 s10, $0x1;
	s10 =	sld [smem:$0x3FA8];
	_ =	sdelay $0x3  }
0x34: {  	[smem:$0x3FA8] =	sst s10  }
0x35: {  	s10 =	sld [smem:$0x3FA7];
	_ =	sdelay $0x3  }
0x36: {  	p1 =	seq.s32 s10, $0x1;
	s10 =	sld [smem:$0x3FA8];
	_ =	sdelay $0x3  }
0x37: {  	[smem:$0x3FA8] =	sst s10  }
0x38: {  	s10 =	sld [smem:$0x3FA9]  }
0x39: {  	_ = 	snop;
	(pc) =	sbr.ind lr, $3  }
0x3a: {  	_ = 	snop  }
0x3b: {  	_ = 	snop  }
0x3c: {  	p2 =	seq.s32 s10, $0x1;
	s10 =	sld [smem:$0x3FA8]  }
0x3d: {  	_ =	shalt  }
0x3e: {  	_ =	shalt  }
0x3f: {  	_ =	shalt  }
0x40: {  	_ =	shalt  }
0x41: {  	_ =	shalt  }
0x42: {  	_ =	shalt  }
0x43: {  	_ =	shalt  }
0x44: {  	_ =	shalt  }
0x45: {  	_ =	shalt  }
0x46: {  	_ =	shalt  }
0x47: {  	_ =	shalt  }
0x48: {  	_ =	shalt  }
0x49: {  	_ =	shalt  }
0x4a: {  	_ =	shalt  }
0x4b: {  	_ =	shalt  }
0x4c: {  	_ =	shalt  }
0x4d: {  	_ =	shalt  }
0x4e: {  	_ =	shalt  }
0x4f: {  	_ =	shalt  }
0x50: {  	_ =	shalt  }
0x51: {  	_ =	shalt  }
0x52: {  	_ =	shalt  }
0x53: {  	_ =	shalt  }
0x54: {  	_ =	shalt  }
0x55: {  	_ =	shalt  }
0x56: {  	_ =	shalt  }
0x57: {  	_ =	shalt  }
0x58: {  	_ =	shalt  }
0x59: {  	_ =	shalt  }
0x5a: {  	_ =	shalt  }
0x5b: {  	_ =	shalt  }
0x5c: {  	_ =	shalt  }
0x5d: {  	_ =	shalt  }
0x5e: {  	_ =	shalt  }
0x5f: {  	_ =	shalt  }
0x60: {  	_ =	shalt  }
0x61: {  	_ =	shalt  }
0x62: {  	_ =	shalt  }
0x63: {  	_ =	shalt  }
0x64: {  	_ =	shalt  }
0x65: {  	_ =	shalt  }
0x66: {  	_ =	shalt  }
0x67: {  	_ =	shalt  }
0x68: {  	_ =	shalt  }
0x69: {  	_ =	shalt  }
0x6a: {  	_ =	shalt  }
0x6b: {  	_ =	shalt  }
0x6c: {  	_ =	shalt  }
0x6d: {  	_ =	shalt  }
0x6e: {  	_ =	shalt  }
0x6f: {  	_ =	shalt  }
0x70: {  	_ =	shalt  }
0x71: {  	_ =	shalt  }
0x72: {  	_ =	shalt  }
0x73: {  	_ =	shalt  }
0x74: {  	_ =	shalt  }
0x75: {  	_ =	shalt  }
0x76: {  	_ =	shalt  }
0x77: {  	_ =	shalt  }
0x78: {  	_ =	shalt  }
0x79: {  	_ =	shalt  }
0x7a: {  	_ =	shalt  }
0x7b: {  	_ =	shalt  }
0x7c: {  	_ =	shalt  }
0x7d: {  	_ =	shalt  }
0x7e: {  	_ =	shalt  }
0x7f: {  	_ =	shalt  }
0x80: {  	_ =	shalt  }
0x81: {  	_ =	shalt  }
0x82: {  	_ =	shalt  }
0x83: {  	_ =	shalt  }
0x84: {  	_ =	shalt  }
0x85: {  	_ =	shalt  }
0x86: {  	_ =	shalt  }
0x87: {  	_ =	shalt  }
.Lfunc_end0:
.L_simem_size_0:
called_computation.3_lowered:
.L_overlay_start_0:
0x88: {  	s2 =	sld [smem:$0x3FD9]  }
0x89: {  	s3 =	sld [smem:$0x3FFE];
	_ =	sdelay $0x1  }
0x8a: {  	s1 =	srdreg.scid  }
0x8b: {  	s0 =	sand.u32 $0x1, s1  }
0x8c: {  	s17 =	sshll.u32 s0, $0xA;
	s2 =	sadd.s32 s3, s2  }
0x8d: {  	s2 =	sadd.s32 s2, s17  }
0x8e: {  	[smem:$0x3FB4] =	sst s2  }
0x8f: {  	_ = 	snop  }
0x90: {  	s2 =	sld [smem:$0x3FD0];
	(tm) =	ssettm $0x1  }
0x91: {  	s18 =	sld [smem:$0x3FFB];
	_ =	sdelay $0x3  }
0x92: {  	_ =	strace s18  }
0x93: {  	s3 =	sld [smem:$0x3FFC];
	_ =	sdelay $0x3  }
0x94: {  	_ =	strace s3  }
0x95: {  	s3 =	sld [smem:$0x3FFD];
	_ =	sdelay $0x3  }
0x96: {  	_ =	strace s3  }
0x97: {  	_ =	strace $0x8FFFFFFF  }
0x98: {  	s19 =	sld [smem:$0x3FDB];
	_ =	sdelay $0x1  }
0x99: {  	s4 =	simm.s32 $_scs_section_size  }
0x9a: {  	s5 =	simm.s32 $_size__tile_overlayer_lowered;
	s6 =	simm.s32 $_tile_overlayer_lowered  }
0x9b: {  	s22 =	simm.s32 $0x1BFF;
	s21 =	sshll.u32 s6, $0x1;
	s3 =	sadd.s32 s4, s19  }
0x9c: {  	s7 =	simm.s32 $0x0;
	s20 =	sshll.u32 s5, $0x1;
	s5 =	sadd.s32 s21, s3  }
0x9d: {  	[timem:s7], [sflag:s22] =	dma.local [hbm:s5], s20  }
0x9e: {  	_ =	swait.ge [sflag:s22], s20  }
0x9f: {  	s4 =	ssub.s32 $0x0, s20;
	[sflag:s22] =	ssyncset.done $0x0  }
0xa0: {  	[sflag:s22] =	ssyncadd.s32 s4;
	_ =	sdelay $0x1  }
0xa1: {  	s23 =	simm.s32 $0x1B8B  }
0xa2: {  	_ =	swait.ge [sflag:s23], $0x1  }
0xa3: {  	[sflag:s23] =	ssyncset.done $0x0  }
0xa4: {  	s25 =	simm.s32 $0x1B8E;
	s24 =	sld [smem:$0x3FFE];
	[sflag:s23] =	ssyncadd.s32 $0xFFFFFFFF  }
0xa5: {  	s26 =	simm.s32 $execute0_lowered;
	[smem:$0x3FD2] =	sst s25  }
0xa6: {  	s5 =	sshll.u32 s26, $0x1;
	_ =	strace $0x8000004F;
	[dreg:$0x1] =	wrdreg $0xFFFFFFFF  }
0xa7: {  	s28 =	simm.s32 $_size_execute0_lowered;
	s3 =	sadd.s32 s3, s5;
	[dreg:$0x0] =	wrdreg $0x0  }
0xa8: {  	s5 =	sshll.u32 s28, $0x1;
	[dreg:$0x2] =	wrdreg s3  }
0xa9: {  	[dreg:$0x3] =	wrdreg s5  }
0xaa: {  	[dreg:$0x4] =	wrdreg $0xC0  }
0xab: {  	_ =	task [dreg:s7], $0x5FFFF  }
0xac: {  	[dreg:$0x1] =	wrdreg $0xFFFFFFFF  }
0xad: {  	[dreg:$0x0] =	wrdreg $0x60  }
0xae: {  	[dreg:$0x2] =	wrdreg s24  }
0xaf: {  	[dreg:$0x3] =	wrdreg s2  }
0xb0: {  	[dreg:$0x4] =	wrdreg $0x76200  }
0xb1: {  	[dreg:$0x5] =	wrdreg $0x9  }
0xb2: {  	_ =	task.clear_ibuf [dreg:s7], $0x6FFFF;
	_ =	strace $0x9000004F  }
0xb3: {  	s29 =	simm.s32 $0x9;
	_ =	strace $0x80000051  }
0xb4: {  	_ =	swait.ge [sflag:s29], $0x1  }
0xb5: {  	[sflag:s29] =	ssyncadd.s32 $0xFFFFFFFF  }
0xb6: {  	_ =	strace $0x90000051  }
0xb7: {  	_ =	sfence  }
0xb8: {  	s30 =	sld [smem:$0x0];
	_ =	sdelay $0x2  }
0xb9: {  	s31 =	sshll.u32 s1, $0xD;
	s1 =	sshrl.u32 s1, $0x2  }
0xba: {  	s3 =	sand.u32 $0x4000, s31;
	s1 =	sadd.s32 s1, s30  }
0xbb: {  	s0 =	sor.u32 s3, s0;
	s1 =	sshll.u32 s1, $0x11  }
0xbc: {  	s0 =	sor.u32 s1, s0  }
0xbd: {  	s0 =	sadd.s32 $0x8F2B, s0  }
0xbe: {  	[sflag:s0] =	ssyncadd.remote.s32 $0x1  }
0xbf: {  	_ =	sfence.sel $0xFFFF  }
0xc0: {  	[dreg:$0x0] =	wrdreg $0xFFFFFFFF;
	(pc) =	sbr.abs _section_cstart, $3  }
0xc1: {  	[dreg:$0x1] =	wrdreg $0xFFFFFFFF  }
0xc2: {  	_ =	task.clear_ibuf [dreg:s7], $0x2FFFF;
	_ =	strace $0x9FFFFFFF  }
0xc3: {  	(tm) =	ssettm $0x7FFFFFFF  }
tec
execute0_lowered:
.L_overlay_start_1:
0x0: {  	(tag) =	ssettag $0x1  }
0x1: {  	s6 =	rddreg [dreg:$0x0]  }
0x2: {  	s1 =	rddreg [dreg:$0x1]  }
0x3: {  	s3 =	rddreg [dreg:$0x2]  }
0x4: {  	s0 =	rddreg [dreg:$0x3];
	s4 =	simm.s32 $0x0;
	s5 =	srdreg.scid  }
0x5: {  	s2 =	stileid.u32;
	s13 =	simm.s32 $0x2710;
	s14 =	simm.s32 $0x50  }
0x6: {  	s15 =	simm.s32 $0x4E20;
	s16 =	simm.s32 $0x0;
	s7 =	sand.u32 $0x1, s5  }
0x7: {  	s30 =	sshll.u32 s2, $0x1;
	s8 =	smul.u32 $0x13880, s2;
	[smem:$0x7FF] =	sst s4  }
0x8: {  	s31 =	sshll.u32 s2, $0x6;
	s5 =	sor.u32 s7, s30;
	s9 =	smul.u32 $0x138800, s7  }
0x9: {  	_ =	strace $0x80000050;
	s7 =	ssub.s32 $0x2, s7;
	s10 =	smul.u32 $0x4E2, s5  }
0xa: {  	s5 =	sadd.s32 $0x17C00, s6;
	s11 =	sshrl.u32 s7, $0x1;
	s9 =	sadd.s32 s8, s9  }
0xb: {  	s12 =	sadd.s32 s8, s3;
	s11 =	ssub.s32 s7, s11;
	s9 =	sshrl.u32 s9, $0x3  }
0xc: {  	s10 =	sadd.s32 s10, s6;
	s9 =	sadd.s32 s9, s6;
	s6 =	sor.u32 $0x1C01, s31  }
0xd: {  	s7 =	sadd.s32 $0xDE00, s10;
	s8 =	sadd.s32 $0x4000, s10;
	s10 =	smax.u32 s11, $0x1  }
0xe: {  	s11 =	sshrl.u32 s12, $0x3;
	s12 =	simm.s32 $0x1;
	s9 =	sadd.s32 $0x3EE00, s9  }
.LBB2_1:
0xf: {  	[spmem:s11], [sflag:s6] =	dma.local [hbm:s1], $0x2710  }
0x10: {  	_ =	swait.ge [sflag:s12], $0x2710  }
0x11: {  	[sflag:s12] =	ssyncset.done $0x0  }
0x12: {  	[sflag:s12] =	ssyncadd.s32 $0xFFFFD8F0  }
0x13: {  	[tilespmem:s4], [sflag:$0x1] =	stream.linear.gather [hbm4b:s7+s4], $0x2710, $0x38;
	[tilespmem:$0x1AEA0] =	vst v63  }
0x14: {  	_ =	swait.ge [sflag:s12], $0x2710  }
0x15: {  	[sflag:s12] =	ssyncset.done $0x0  }
0x16: {  	[sflag:s12] =	ssyncadd.s32 $0xFFFFD8F0  }
0x17: {  	[tilespmem:s13], [sflag:$0x1] =	stream.linear.gather [hbm4b:s8+s4], $0x2710, $0x38;
	[tilespmem:$0x1AEA0] =	vst v63  }
0x18: {  	_ =	swait.ge [sflag:s12], $0x2710  }
0x19: {  	[sflag:s12] =	ssyncset.done $0x0  }
0x1a: {  	[sflag:s12] =	ssyncadd.s32 $0xFFFFD8F0  }
0x1b: {  	s17 =	simm.s32 $0x0;
	[bflag:$0x0] =	sbarrier.arrive $0xFFFF  }
0x1c: {  	[tilespmem:s15], [sflag:$0x1] =	stream.indirect.gather [hbm4b:s5+s14], $0x80, s17, s14, $0xb8;
	[tilespmem:$0x1AEA0] =	vst v63  }
0x1d: {  	_ =	swait.ge [sflag:s12], $0x2800  }
0x1e: {  	[sflag:s12] =	ssyncset.done $0x0  }
0x1f: {  	s31 =	simm.s32 $0x2710;
	[sflag:s12] =	ssyncadd.s32 $0xFFFFD800  }
0x20: {  	[spmem:s3] =	stream.indirect.scatter.add.f32 [tilespmem:s15], [sflag:$0x1], $0x80, s31, s14, $0xb8;
	[tilespmem:$0x1AEA0] =	vst v63  }
0x21: {  	_ =	swait.ge [sflag:s12], $0x2800  }
0x22: {  	s18 =	simm.s32 $0x280;
	s17 =	simm.s32 $0x140;
	[sflag:s12] =	ssyncset.done $0x0  }
.LBB2_2:
0x23: {  	s19 =	sshra.s32 s17, $0x2  }
0x24: {  	[sflag:s12] =	ssyncadd.s32 $0xFFFFD800;
	s17 =	smov.u32 s18;
	s20 =	sadd.s32 $0x140, s18  }
0x25: {  	[tilespmem:s15], [sflag:$0x1] =	stream.indirect.gather [hbm4b:s5+s14], $0x80, s19, s14, $0xb8;
	[tilespmem:$0x1AEA0] =	vst v63  }
0x26: {  	p0 =	sne.s32 s18, $0x9B00;
	_ =	swait.ge [sflag:s12], $0x2800  }
.Ltmp0:
0x27: {  	[sflag:s12] =	ssyncset.done $0x0;
	(pc) =	sbr.rel @p0 .LBB2_2-.Ltmp0, $4  }
0x28: {  	s18 =	sadd.s32 $0x2710, s19;
	[sflag:s12] =	ssyncadd.s32 $0xFFFFD800  }
0x29: {  	[spmem:s3] =	stream.indirect.scatter.add.f32 [tilespmem:s15], [sflag:$0x1], $0x80, s18, s14, $0xb8;
	[tilespmem:$0x1AEA0] =	vst v63  }
0x2a: {  	_ =	swait.ge [sflag:s12], $0x2800  }
0x2b: {  	s18 =	smov.u32 s20;
	[sflag:s12] =	ssyncset.done $0x0  }
0x2c: {  	s17 =	sshra.s32 s17, $0x2;
	[sflag:s12] =	ssyncadd.s32 $0xFFFFD800  }
0x2d: {  	[tilespmem:s15], [sflag:$0x1] =	stream.indirect.gather [hbm4b:s5+s14], $0x80, s17, s14, $0xb8;
	[tilespmem:$0x1AEA0] =	vst v63  }
0x2e: {  	_ =	swait.ge [sflag:s12], $0x2800  }
0x2f: {  	[sflag:s12] =	ssyncset.done $0x0  }
0x30: {  	s17 =	sadd.s32 $0x2710, s17;
	[sflag:s12] =	ssyncadd.s32 $0xFFFFD800  }
0x31: {  	[spmem:s3] =	stream.indirect.scatter.add.f32 [tilespmem:s15], [sflag:$0x1], $0x80, s17, s14, $0xb8;
	[tilespmem:$0x1AEA0] =	vst v63  }
0x32: {  	_ =	swait.ge [sflag:s12], $0x2800  }
0x33: {  	s16 =	sadd.s32 $0x1, s16;
	[sflag:s12] =	ssyncset.done $0x0  }
0x34: {  	p0 =	sne.s32 s16, s10;
	[sflag:s12] =	ssyncadd.s32 $0xFFFFD800  }
.Ltmp1:
0x35: {  	[bflag:$0x0] =	sbarrier.arrive $0xFFFF;
	(pc) =	sbr.rel @p0 .LBB2_1-.Ltmp1, $4  }
0x36: {  	[hbm:s9], [sflag:s6] =	dma.local [spmem:s11], $0x2710  }
0x37: {  	_ =	swait.ge [sflag:s12], $0x2710  }
0x38: {  	[sflag:s12] =	ssyncset.done $0x0  }
0x39: {  	[sflag:s12] =	ssyncadd.s32 $0xFFFFD8F0  }
0x3a: {  	_ =	sfence.sel $0x180000  }
0x3b: {  	[bflag:$0x0] =	sbarrier.arrive $0xFFFF  }
0x3c: {  	p0 =	sne.s32 s2, $0x0;
	_ =	strace $0x90000050  }
0x3d: {  	s0 =	sadd.s32 @!p0 $0x100000, s0;
	[bflag:$0x2] =	sbarrier.arrive $0xFFFF  }
0x3e: {  	[sflag:s0] =	ssyncadd.tile.s32 @!p0 $0x1;
	_ =	shalt  }
.Lfunc_end2:
_tile_overlayer_lowered:
.L_overlay_start_2:
0x3f: {  	(tag) =	ssettag $0x2  }
0x40: {  	s0 =	rddreg [dreg:$0x0];
	s2 =	stileid.u32  }
0x41: {  	s1 =	rddreg [dreg:$0x1];
	p0 =	sne.s32 s2, $0x0  }
0x42: {  	s3 =	rddreg [dreg:$0x2];
	[bflag:$0x3] =	sbarrier.arrive $0xFFFF;
	s2 =	simm.s32 @!p0 $0x1C01  }
0x43: {  	[timem:s3], [sflag:s2] =	dma.local @!p0 [hbm:s0], s1  }
0x44: {  	s0 =	simm.s32 @!p0 $0x1  }
0x45: {  	_ =	swait.ge @!p0 [sflag:s0], s1  }
0x46: {  	s1 =	ssub.s32 @!p0 $0x0, s1;
	[sflag:s0] =	ssyncset.done @!p0 $0x0  }
0x47: {  	[sflag:s0] =	ssyncadd.s32 @!p0 s1  }
0x48: {  	[bflag:$0x3] =	sbarrier.arrive $0xFFFF  }
0x49: {  	_ =	shalt  }

</sc_bundles>
